<compile_context>
chip_gen: v7x
topology: tpu7x:2x2x1
jax: 0.10.2.dev20260603
libtpu: 0.0.44.dev20260713+nightly
codegen_flags: <defaults>
</compile_context>

<pallas_src>
import functools

import jax
import jax.numpy as jnp
from jax import lax
from jax.experimental import pallas as pl
from jax.experimental.pallas import tpu as pltpu
from jax.experimental.pallas import tpu_sc as plsc

H = 2048
E = 16
N = 16384
TOPK = 2
BT = 512
BP = 2048
NW = 32
C = N // NW
L = 16


def _logits_body(x_ref, w_ref, out_ref):
    out_ref[...] = lax.dot_general(
        w_ref[...], x_ref[...],
        dimension_numbers=(((1,), (1,)), ((), ())),
        preferred_element_type=jnp.float32,
    )


def _logits_tc(x, w):
    return pl.pallas_call(
        _logits_body,
        grid=(N // BT,),
        in_specs=[
            pl.BlockSpec((BT, H), lambda i: (i, 0)),
            pl.BlockSpec((E, H), lambda i: (0, 0)),
        ],
        out_specs=pl.BlockSpec((E, BT), lambda i: (0, i)),
        out_shape=jax.ShapeDtypeStruct((E, N), jnp.float32),
    )(x, w)


def _router_sc_body(lt_hbm, w0_hbm, w1_hbm, i1_hbm, i2_hbm, lt_v, rw_v, se_v):
    wid = lax.axis_index("s") * 2 + lax.axis_index("c")
    base = wid * C
    pltpu.sync_copy(lt_hbm.at[:, pl.ds(base, C)], lt_v)

    neg_inf = jnp.float32(-jnp.inf)

    def step(g, _):
        t0 = g * L
        xs = [lt_v[e, pl.ds(t0, L)] for e in range(E)]
        m1 = functools.reduce(jnp.maximum, xs)
        idx1 = jnp.full((L,), 0, jnp.int32)
        for e in reversed(range(E)):
            idx1 = jnp.where(xs[e] == m1, jnp.int32(e), idx1)
        xs2 = [jnp.where(idx1 == jnp.int32(e), neg_inf, xs[e])
               for e in range(E)]
        m2 = functools.reduce(jnp.maximum, xs2)
        idx2 = jnp.full((L,), 0, jnp.int32)
        for e in reversed(range(E)):
            idx2 = jnp.where(xs2[e] == m2, jnp.int32(e), idx2)
        ex = jnp.exp(m2 - m1)
        denom = jnp.float32(1.0) + ex
        w0 = jnp.float32(1.0) / denom
        w1 = ex / denom
        rw_v[0, pl.ds(t0, L)] = w0
        rw_v[1, pl.ds(t0, L)] = w1
        se_v[0, pl.ds(t0, L)] = idx1
        se_v[1, pl.ds(t0, L)] = idx2
        return _

    lax.fori_loop(0, C // L, step, None)
    pltpu.sync_copy(rw_v.at[0], w0_hbm.at[pl.ds(base, C)])
    pltpu.sync_copy(rw_v.at[1], w1_hbm.at[pl.ds(base, C)])
    pltpu.sync_copy(se_v.at[0], i1_hbm.at[pl.ds(base, C)])
    pltpu.sync_copy(se_v.at[1], i2_hbm.at[pl.ds(base, C)])


def _router_sc(logits_t):
    mesh = plsc.VectorSubcoreMesh(core_axis_name="c", subcore_axis_name="s")
    f = pl.kernel(
        _router_sc_body,
        mesh=mesh,
        out_type=[
            jax.ShapeDtypeStruct((N,), jnp.float32),
            jax.ShapeDtypeStruct((N,), jnp.float32),
            jax.ShapeDtypeStruct((N,), jnp.int32),
            jax.ShapeDtypeStruct((N,), jnp.int32),
        ],
        scratch_types=[
            pltpu.VMEM((E, C), jnp.float32),
            pltpu.VMEM((TOPK, C), jnp.float32),
            pltpu.VMEM((TOPK, C), jnp.int32),
        ],
    )
    return f(logits_t)


def kernel(hidden_states, weight):
    logits_t = _logits_tc(hidden_states, weight)
    w0, w1, i1, i2 = _router_sc(logits_t)
    routing_weights = jnp.stack([w0, w1], axis=-1)
    selected_experts = jnp.stack([i1, i2], axis=-1)
    return routing_weights, selected_experts

# --- scband reference (transcript-rebuilt; emitter-appended) ---
"""Pipeline reference for scband-jet-mo-arouter-85787676770833 (READ-ONLY COPY).

The authoritative reference and input builder live on the scoring server;
editing this copy changes nothing except your own understanding.
"""

import jax, jax.numpy as jnp
import numpy as np

HIDDEN_SIZE = 2048
NUM_EXPERTS = 16
TOP_K = 2
NUM_TOKENS = 16384


def setup_inputs(seed: int = 0) -> dict:
    key = jax.random.key(seed)
    k1, k2 = jax.random.split(key)
    hidden_states = jax.random.normal(k1, (NUM_TOKENS, HIDDEN_SIZE), dtype=jnp.float32)
    weight = jax.random.normal(k2, (NUM_EXPERTS, HIDDEN_SIZE), dtype=jnp.float32) * 0.02
    return {"hidden_states": hidden_states, "weight": weight}


def reference(hidden_states, weight):
    # logits = hidden_states @ weight^T  (MatMul with transposed router weight)
    logits = jnp.matmul(hidden_states, jnp.transpose(weight, (1, 0)))
    # TopK over experts axis
    top_k_logits, selected_experts = jax.lax.top_k(logits, TOP_K)
    # Softmax over the selected top-k logits
    routing_weights = jax.nn.softmax(top_k_logits, axis=-1)
    return routing_weights, selected_experts

if __name__ == "__main__":
    import jax
    _d = setup_inputs()
    print(jax.jit(kernel)(*tuple(_d.values())))

</pallas_src>

<mosaic_0001>
#map = affine_map<(d0, d1) -> (0, 0)>
#map1 = affine_map<(d0, d1) -> (0)>
module attributes {stable_mosaic.version = 14 : i64} {
  func.func @_router_sc_body(%arg0: i32, %arg1: i32, %arg2: memref<16x16384xf32, #tpu.memory_space<hbm>>, %arg3: memref<16384xf32, #tpu.memory_space<hbm>>, %arg4: memref<16384xf32, #tpu.memory_space<hbm>>, %arg5: memref<16384xi32, #tpu.memory_space<hbm>>, %arg6: memref<16384xi32, #tpu.memory_space<hbm>>, %arg7: memref<16x512xf32, #tpu.memory_space<vmem>>, %arg8: memref<2x512xf32, #tpu.memory_space<vmem>>, %arg9: memref<2x512xi32, #tpu.memory_space<vmem>>) attributes {dimension_semantics = [#tpu.dimension_semantics<core_parallel>, #tpu.dimension_semantics<subcore_parallel>], iteration_bounds = array<i64: 2, 16>, scalar_prefetch = 0 : i64, scratch_operands = 3 : i64, tpu.core_type = #tpu.core_type<sc_vector_subcore>, window_params = [{transform_indices = #map}, {transform_indices = #map1}, {transform_indices = #map1}, {transform_indices = #map1}, {transform_indices = #map1}]} {
    %mul3A = arith.constant 2 : i32
    %mul3A_0 = arith.muli %arg1, %mul3A : i32
    %add3A = arith.addi %mul3A_0, %arg0 : i32
    %mul3A_1 = arith.constant 512 : i32
    %mul3A_2 = arith.muli %add3A, %mul3A_1 : i32
    "tpu.region"() ({
      %run_scoped3A_11 = tpu.sem_alloc : memref<!tpu.dma_semaphore, #tpu.memory_space<semaphore_mem>>
      %dma_start3A = arith.constant 0 : i32
      %dma_start3A_12 = tpu.memref_slice %arg2[%dma_start3A, %mul3A_2] : memref<16x16384xf32, #tpu.memory_space<hbm>> -> memref<16x512xf32, #tpu.memory_space<hbm>>
      %dma_start3A_13 = arith.constant 0 : i32
      %dma_start3A_14 = tpu.memref_slice %arg2[%dma_start3A_13, %mul3A_2] : memref<16x16384xf32, #tpu.memory_space<hbm>> -> memref<16x512xf32, #tpu.memory_space<hbm>>
      tpu.enqueue_dma source(%dma_start3A_14 : memref<16x512xf32, #tpu.memory_space<hbm>>) target(%arg7 : memref<16x512xf32, #tpu.memory_space<vmem>>) target_semaphore(%run_scoped3A_11 : memref<!tpu.dma_semaphore, #tpu.memory_space<semaphore_mem>>)
      %dma_wait3A = arith.constant 0 : i32
      %dma_wait3A_15 = tpu.memref_slice %arg2[%dma_wait3A, %mul3A_2] : memref<16x16384xf32, #tpu.memory_space<hbm>> -> memref<16x512xf32, #tpu.memory_space<hbm>>
      %dma_wait3A_16 = arith.constant 0 : i32
      %dma_wait3A_17 = tpu.memref_slice %arg2[%dma_wait3A_16, %mul3A_2] : memref<16x16384xf32, #tpu.memory_space<hbm>> -> memref<16x512xf32, #tpu.memory_space<hbm>>
      tpu.wait_dma2 semaphore(%run_scoped3A_11 : memref<!tpu.dma_semaphore, #tpu.memory_space<semaphore_mem>>) src(%dma_wait3A_17 : memref<16x512xf32, #tpu.memory_space<hbm>>) dst(%arg7 : memref<16x512xf32, #tpu.memory_space<vmem>>)
      tpu.yield
    }) : () -> ()
    %scan3A = arith.constant 0xFF800000 : f32
    %scan3A_3 = arith.constant 0 : i32
    %scan3A_4 = arith.constant 32 : i32
    %scan3A_5 = arith.addi %scan3A_3, %scan3A_4 : i32
    %scan3A_6 = arith.constant 1 : i32
    scf.for %scan3A_11 = %scan3A_3 to %scan3A_5 step %scan3A_6  : i32 {
      %mul3A_12 = arith.constant 16 : i32
      %mul3A_13 = arith.muli %scan3A_11, %mul3A_12 : i32
      %get3A = arith.constant 0 : i32
      %get3A_14 = arith.index_cast %get3A : i32 to index
      %get3A_15 = arith.index_cast %mul3A_13 : i32 to index
      %get3A_16 = tpu.vector_load %arg7[%get3A_14, %get3A_15] {strides = array<i32>} : memref<16x512xf32, #tpu.memory_space<vmem>>, vector<1x16xf32>,
      %get3A_17 = vector.shape_cast %get3A_16 : vector<1x16xf32> to vector<16xf32>
      %get3A_18 = arith.constant 1 : i32
      %get3A_19 = arith.index_cast %get3A_18 : i32 to index
      %get3A_20 = arith.index_cast %mul3A_13 : i32 to index
      %get3A_21 = tpu.vector_load %arg7[%get3A_19, %get3A_20] {strides = array<i32>} : memref<16x512xf32, #tpu.memory_space<vmem>>, vector<1x16xf32>,
      %get3A_22 = vector.shape_cast %get3A_21 : vector<1x16xf32> to vector<16xf32>
      %get3A_23 = arith.constant 2 : i32
      %get3A_24 = arith.index_cast %get3A_23 : i32 to index
      %get3A_25 = arith.index_cast %mul3A_13 : i32 to index
      %get3A_26 = tpu.vector_load %arg7[%get3A_24, %get3A_25] {strides = array<i32>} : memref<16x512xf32, #tpu.memory_space<vmem>>, vector<1x16xf32>,
      %get3A_27 = vector.shape_cast %get3A_26 : vector<1x16xf32> to vector<16xf32>
      %get3A_28 = arith.constant 3 : i32
      %get3A_29 = arith.index_cast %get3A_28 : i32 to index
      %get3A_30 = arith.index_cast %mul3A_13 : i32 to index
      %get3A_31 = tpu.vector_load %arg7[%get3A_29, %get3A_30] {strides = array<i32>} : memref<16x512xf32, #tpu.memory_space<vmem>>, vector<1x16xf32>,
      %get3A_32 = vector.shape_cast %get3A_31 : vector<1x16xf32> to vector<16xf32>
      %get3A_33 = arith.constant 4 : i32
      %get3A_34 = arith.index_cast %get3A_33 : i32 to index
      %get3A_35 = arith.index_cast %mul3A_13 : i32 to index
      %get3A_36 = tpu.vector_load %arg7[%get3A_34, %get3A_35] {strides = array<i32>} : memref<16x512xf32, #tpu.memory_space<vmem>>, vector<1x16xf32>,
      %get3A_37 = vector.shape_cast %get3A_36 : vector<1x16xf32> to vector<16xf32>
      %get3A_38 = arith.constant 5 : i32
      %get3A_39 = arith.index_cast %get3A_38 : i32 to index
      %get3A_40 = arith.index_cast %mul3A_13 : i32 to index
      %get3A_41 = tpu.vector_load %arg7[%get3A_39, %get3A_40] {strides = array<i32>} : memref<16x512xf32, #tpu.memory_space<vmem>>, vector<1x16xf32>,
      %get3A_42 = vector.shape_cast %get3A_41 : vector<1x16xf32> to vector<16xf32>
      %get3A_43 = arith.constant 6 : i32
      %get3A_44 = arith.index_cast %get3A_43 : i32 to index
      %get3A_45 = arith.index_cast %mul3A_13 : i32 to index
      %get3A_46 = tpu.vector_load %arg7[%get3A_44, %get3A_45] {strides = array<i32>} : memref<16x512xf32, #tpu.memory_space<vmem>>, vector<1x16xf32>,
      %get3A_47 = vector.shape_cast %get3A_46 : vector<1x16xf32> to vector<16xf32>
      %get3A_48 = arith.constant 7 : i32
      %get3A_49 = arith.index_cast %get3A_48 : i32 to index
      %get3A_50 = arith.index_cast %mul3A_13 : i32 to index
      %get3A_51 = tpu.vector_load %arg7[%get3A_49, %get3A_50] {strides = array<i32>} : memref<16x512xf32, #tpu.memory_space<vmem>>, vector<1x16xf32>,
      %get3A_52 = vector.shape_cast %get3A_51 : vector<1x16xf32> to vector<16xf32>
      %get3A_53 = arith.constant 8 : i32
      %get3A_54 = arith.index_cast %get3A_53 : i32 to index
      %get3A_55 = arith.index_cast %mul3A_13 : i32 to index
      %get3A_56 = tpu.vector_load %arg7[%get3A_54, %get3A_55] {strides = array<i32>} : memref<16x512xf32, #tpu.memory_space<vmem>>, vector<1x16xf32>,
      %get3A_57 = vector.shape_cast %get3A_56 : vector<1x16xf32> to vector<16xf32>
      %get3A_58 = arith.constant 9 : i32
      %get3A_59 = arith.index_cast %get3A_58 : i32 to index
      %get3A_60 = arith.index_cast %mul3A_13 : i32 to index
      %get3A_61 = tpu.vector_load %arg7[%get3A_59, %get3A_60] {strides = array<i32>} : memref<16x512xf32, #tpu.memory_space<vmem>>, vector<1x16xf32>,
      %get3A_62 = vector.shape_cast %get3A_61 : vector<1x16xf32> to vector<16xf32>
      %get3A_63 = arith.constant 10 : i32
      %get3A_64 = arith.index_cast %get3A_63 : i32 to index
      %get3A_65 = arith.index_cast %mul3A_13 : i32 to index
      %get3A_66 = tpu.vector_load %arg7[%get3A_64, %get3A_65] {strides = array<i32>} : memref<16x512xf32, #tpu.memory_space<vmem>>, vector<1x16xf32>,
      %get3A_67 = vector.shape_cast %get3A_66 : vector<1x16xf32> to vector<16xf32>
      %get3A_68 = arith.constant 11 : i32
      %get3A_69 = arith.index_cast %get3A_68 : i32 to index
      %get3A_70 = arith.index_cast %mul3A_13 : i32 to index
      %get3A_71 = tpu.vector_load %arg7[%get3A_69, %get3A_70] {strides = array<i32>} : memref<16x512xf32, #tpu.memory_space<vmem>>, vector<1x16xf32>,
      %get3A_72 = vector.shape_cast %get3A_71 : vector<1x16xf32> to vector<16xf32>
      %get3A_73 = arith.constant 12 : i32
      %get3A_74 = arith.index_cast %get3A_73 : i32 to index
      %get3A_75 = arith.index_cast %mul3A_13 : i32 to index
      %get3A_76 = tpu.vector_load %arg7[%get3A_74, %get3A_75] {strides = array<i32>} : memref<16x512xf32, #tpu.memory_space<vmem>>, vector<1x16xf32>,
      %get3A_77 = vector.shape_cast %get3A_76 : vector<1x16xf32> to vector<16xf32>
      %get3A_78 = arith.constant 13 : i32
      %get3A_79 = arith.index_cast %get3A_78 : i32 to index
      %get3A_80 = arith.index_cast %mul3A_13 : i32 to index
      %get3A_81 = tpu.vector_load %arg7[%get3A_79, %get3A_80] {strides = array<i32>} : memref<16x512xf32, #tpu.memory_space<vmem>>, vector<1x16xf32>,
      %get3A_82 = vector.shape_cast %get3A_81 : vector<1x16xf32> to vector<16xf32>
      %get3A_83 = arith.constant 14 : i32
      %get3A_84 = arith.index_cast %get3A_83 : i32 to index
      %get3A_85 = arith.index_cast %mul3A_13 : i32 to index
      %get3A_86 = tpu.vector_load %arg7[%get3A_84, %get3A_85] {strides = array<i32>} : memref<16x512xf32, #tpu.memory_space<vmem>>, vector<1x16xf32>,
      %get3A_87 = vector.shape_cast %get3A_86 : vector<1x16xf32> to vector<16xf32>
      %get3A_88 = arith.constant 15 : i32
      %get3A_89 = arith.index_cast %get3A_88 : i32 to index
      %get3A_90 = arith.index_cast %mul3A_13 : i32 to index
      %get3A_91 = tpu.vector_load %arg7[%get3A_89, %get3A_90] {strides = array<i32>} : memref<16x512xf32, #tpu.memory_space<vmem>>, vector<1x16xf32>,
      %get3A_92 = vector.shape_cast %get3A_91 : vector<1x16xf32> to vector<16xf32>
      %max3A = arith.maximumf %get3A_17, %get3A_22 : vector<16xf32>
      %max3A_93 = arith.maximumf %max3A, %get3A_27 : vector<16xf32>
      %max3A_94 = arith.maximumf %max3A_93, %get3A_32 : vector<16xf32>
      %max3A_95 = arith.maximumf %max3A_94, %get3A_37 : vector<16xf32>
      %max3A_96 = arith.maximumf %max3A_95, %get3A_42 : vector<16xf32>
      %max3A_97 = arith.maximumf %max3A_96, %get3A_47 : vector<16xf32>
      %max3A_98 = arith.maximumf %max3A_97, %get3A_52 : vector<16xf32>
      %max3A_99 = arith.maximumf %max3A_98, %get3A_57 : vector<16xf32>
      %max3A_100 = arith.maximumf %max3A_99, %get3A_62 : vector<16xf32>
      %max3A_101 = arith.maximumf %max3A_100, %get3A_67 : vector<16xf32>
      %max3A_102 = arith.maximumf %max3A_101, %get3A_72 : vector<16xf32>
      %max3A_103 = arith.maximumf %max3A_102, %get3A_77 : vector<16xf32>
      %max3A_104 = arith.maximumf %max3A_103, %get3A_82 : vector<16xf32>
      %max3A_105 = arith.maximumf %max3A_104, %get3A_87 : vector<16xf32>
      %max3A_106 = arith.maximumf %max3A_105, %get3A_92 : vector<16xf32>
      %broadcast_in_dim3A = arith.constant 0 : i32
      %broadcast_in_dim3A_107 = vector.broadcast %broadcast_in_dim3A : i32 to vector<16xi32>
      %eq3A = arith.cmpf oeq, %get3A_92, %max3A_106 : vector<16xf32>
      %jit3A = arith.constant 15 : i32
      %broadcast_in_dim3A_108 = vector.broadcast %jit3A : i32 to vector<16xi32>
      %select_n3A = arith.select %eq3A, %broadcast_in_dim3A_108, %broadcast_in_dim3A_107 : vector<16xi1>, vector<16xi32>
      %eq3A_109 = arith.cmpf oeq, %get3A_87, %max3A_106 : vector<16xf32>
      %jit3A_110 = arith.constant 14 : i32
      %broadcast_in_dim3A_111 = vector.broadcast %jit3A_110 : i32 to vector<16xi32>
      %select_n3A_112 = arith.select %eq3A_109, %broadcast_in_dim3A_111, %select_n3A : vector<16xi1>, vector<16xi32>
      %eq3A_113 = arith.cmpf oeq, %get3A_82, %max3A_106 : vector<16xf32>
      %jit3A_114 = arith.constant 13 : i32
      %broadcast_in_dim3A_115 = vector.broadcast %jit3A_114 : i32 to vector<16xi32>
      %select_n3A_116 = arith.select %eq3A_113, %broadcast_in_dim3A_115, %select_n3A_112 : vector<16xi1>, vector<16xi32>
      %eq3A_117 = arith.cmpf oeq, %get3A_77, %max3A_106 : vector<16xf32>
      %jit3A_118 = arith.constant 12 : i32
      %broadcast_in_dim3A_119 = vector.broadcast %jit3A_118 : i32 to vector<16xi32>
      %select_n3A_120 = arith.select %eq3A_117, %broadcast_in_dim3A_119, %select_n3A_116 : vector<16xi1>, vector<16xi32>
      %eq3A_121 = arith.cmpf oeq, %get3A_72, %max3A_106 : vector<16xf32>
      %jit3A_122 = arith.constant 11 : i32
      %broadcast_in_dim3A_123 = vector.broadcast %jit3A_122 : i32 to vector<16xi32>
      %select_n3A_124 = arith.select %eq3A_121, %broadcast_in_dim3A_123, %select_n3A_120 : vector<16xi1>, vector<16xi32>
      %eq3A_125 = arith.cmpf oeq, %get3A_67, %max3A_106 : vector<16xf32>
      %jit3A_126 = arith.constant 10 : i32
      %broadcast_in_dim3A_127 = vector.broadcast %jit3A_126 : i32 to vector<16xi32>
      %select_n3A_128 = arith.select %eq3A_125, %broadcast_in_dim3A_127, %select_n3A_124 : vector<16xi1>, vector<16xi32>
      %eq3A_129 = arith.cmpf oeq, %get3A_62, %max3A_106 : vector<16xf32>
      %jit3A_130 = arith.constant 9 : i32
      %broadcast_in_dim3A_131 = vector.broadcast %jit3A_130 : i32 to vector<16xi32>
      %select_n3A_132 = arith.select %eq3A_129, %broadcast_in_dim3A_131, %select_n3A_128 : vector<16xi1>, vector<16xi32>
      %eq3A_133 = arith.cmpf oeq, %get3A_57, %max3A_106 : vector<16xf32>
      %jit3A_134 = arith.constant 8 : i32
      %broadcast_in_dim3A_135 = vector.broadcast %jit3A_134 : i32 to vector<16xi32>
      %select_n3A_136 = arith.select %eq3A_133, %broadcast_in_dim3A_135, %select_n3A_132 : vector<16xi1>, vector<16xi32>
      %eq3A_137 = arith.cmpf oeq, %get3A_52, %max3A_106 : vector<16xf32>
      %jit3A_138 = arith.constant 7 : i32
      %broadcast_in_dim3A_139 = vector.broadcast %jit3A_138 : i32 to vector<16xi32>
      %select_n3A_140 = arith.select %eq3A_137, %broadcast_in_dim3A_139, %select_n3A_136 : vector<16xi1>, vector<16xi32>
      %eq3A_141 = arith.cmpf oeq, %get3A_47, %max3A_106 : vector<16xf32>
      %jit3A_142 = arith.constant 6 : i32
      %broadcast_in_dim3A_143 = vector.broadcast %jit3A_142 : i32 to vector<16xi32>
      %select_n3A_144 = arith.select %eq3A_141, %broadcast_in_dim3A_143, %select_n3A_140 : vector<16xi1>, vector<16xi32>
      %eq3A_145 = arith.cmpf oeq, %get3A_42, %max3A_106 : vector<16xf32>
      %jit3A_146 = arith.constant 5 : i32
      %broadcast_in_dim3A_147 = vector.broadcast %jit3A_146 : i32 to vector<16xi32>
      %select_n3A_148 = arith.select %eq3A_145, %broadcast_in_dim3A_147, %select_n3A_144 : vector<16xi1>, vector<16xi32>
      %eq3A_149 = arith.cmpf oeq, %get3A_37, %max3A_106 : vector<16xf32>
      %jit3A_150 = arith.constant 4 : i32
      %broadcast_in_dim3A_151 = vector.broadcast %jit3A_150 : i32 to vector<16xi32>
      %select_n3A_152 = arith.select %eq3A_149, %broadcast_in_dim3A_151, %select_n3A_148 : vector<16xi1>, vector<16xi32>
      %eq3A_153 = arith.cmpf oeq, %get3A_32, %max3A_106 : vector<16xf32>
      %jit3A_154 = arith.constant 3 : i32
      %broadcast_in_dim3A_155 = vector.broadcast %jit3A_154 : i32 to vector<16xi32>
      %select_n3A_156 = arith.select %eq3A_153, %broadcast_in_dim3A_155, %select_n3A_152 : vector<16xi1>, vector<16xi32>
      %eq3A_157 = arith.cmpf oeq, %get3A_27, %max3A_106 : vector<16xf32>
      %jit3A_158 = arith.constant 2 : i32
      %broadcast_in_dim3A_159 = vector.broadcast %jit3A_158 : i32 to vector<16xi32>
      %select_n3A_160 = arith.select %eq3A_157, %broadcast_in_dim3A_159, %select_n3A_156 : vector<16xi1>, vector<16xi32>
      %eq3A_161 = arith.cmpf oeq, %get3A_22, %max3A_106 : vector<16xf32>
      %jit3A_162 = arith.constant 1 : i32
      %broadcast_in_dim3A_163 = vector.broadcast %jit3A_162 : i32 to vector<16xi32>
      %select_n3A_164 = arith.select %eq3A_161, %broadcast_in_dim3A_163, %select_n3A_160 : vector<16xi1>, vector<16xi32>
      %eq3A_165 = arith.cmpf oeq, %get3A_17, %max3A_106 : vector<16xf32>
      %jit3A_166 = arith.constant 0 : i32
      %broadcast_in_dim3A_167 = vector.broadcast %jit3A_166 : i32 to vector<16xi32>
      %select_n3A_168 = arith.select %eq3A_165, %broadcast_in_dim3A_167, %select_n3A_164 : vector<16xi1>, vector<16xi32>
      %eq3A_169 = arith.constant 0 : i32
      %eq3A_170 = vector.broadcast %eq3A_169 : i32 to vector<16xi32>
      %eq3A_171 = arith.cmpi eq, %select_n3A_168, %eq3A_170 : vector<16xi32>
      %broadcast_in_dim3A_172 = vector.broadcast %scan3A : f32 to vector<16xf32>
      %select_n3A_173 = arith.select %eq3A_171, %broadcast_in_dim3A_172, %get3A_17 : vector<16xi1>, vector<16xf32>
      %eq3A_174 = arith.constant 1 : i32
      %eq3A_175 = vector.broadcast %eq3A_174 : i32 to vector<16xi32>
      %eq3A_176 = arith.cmpi eq, %select_n3A_168, %eq3A_175 : vector<16xi32>
      %broadcast_in_dim3A_177 = vector.broadcast %scan3A : f32 to vector<16xf32>
      %select_n3A_178 = arith.select %eq3A_176, %broadcast_in_dim3A_177, %get3A_22 : vector<16xi1>, vector<16xf32>
      %eq3A_179 = arith.constant 2 : i32
      %eq3A_180 = vector.broadcast %eq3A_179 : i32 to vector<16xi32>
      %eq3A_181 = arith.cmpi eq, %select_n3A_168, %eq3A_180 : vector<16xi32>
      %broadcast_in_dim3A_182 = vector.broadcast %scan3A : f32 to vector<16xf32>
      %select_n3A_183 = arith.select %eq3A_181, %broadcast_in_dim3A_182, %get3A_27 : vector<16xi1>, vector<16xf32>
      %eq3A_184 = arith.constant 3 : i32
      %eq3A_185 = vector.broadcast %eq3A_184 : i32 to vector<16xi32>
      %eq3A_186 = arith.cmpi eq, %select_n3A_168, %eq3A_185 : vector<16xi32>
      %broadcast_in_dim3A_187 = vector.broadcast %scan3A : f32 to vector<16xf32>
      %select_n3A_188 = arith.select %eq3A_186, %broadcast_in_dim3A_187, %get3A_32 : vector<16xi1>, vector<16xf32>
      %eq3A_189 = arith.constant 4 : i32
      %eq3A_190 = vector.broadcast %eq3A_189 : i32 to vector<16xi32>
      %eq3A_191 = arith.cmpi eq, %select_n3A_168, %eq3A_190 : vector<16xi32>
      %broadcast_in_dim3A_192 = vector.broadcast %scan3A : f32 to vector<16xf32>
      %select_n3A_193 = arith.select %eq3A_191, %broadcast_in_dim3A_192, %get3A_37 : vector<16xi1>, vector<16xf32>
      %eq3A_194 = arith.constant 5 : i32
      %eq3A_195 = vector.broadcast %eq3A_194 : i32 to vector<16xi32>
      %eq3A_196 = arith.cmpi eq, %select_n3A_168, %eq3A_195 : vector<16xi32>
      %broadcast_in_dim3A_197 = vector.broadcast %scan3A : f32 to vector<16xf32>
      %select_n3A_198 = arith.select %eq3A_196, %broadcast_in_dim3A_197, %get3A_42 : vector<16xi1>, vector<16xf32>
      %eq3A_199 = arith.constant 6 : i32
      %eq3A_200 = vector.broadcast %eq3A_199 : i32 to vector<16xi32>
      %eq3A_201 = arith.cmpi eq, %select_n3A_168, %eq3A_200 : vector<16xi32>
      %broadcast_in_dim3A_202 = vector.broadcast %scan3A : f32 to vector<16xf32>
      %select_n3A_203 = arith.select %eq3A_201, %broadcast_in_dim3A_202, %get3A_47 : vector<16xi1>, vector<16xf32>
      %eq3A_204 = arith.constant 7 : i32
      %eq3A_205 = vector.broadcast %eq3A_204 : i32 to vector<16xi32>
      %eq3A_206 = arith.cmpi eq, %select_n3A_168, %eq3A_205 : vector<16xi32>
      %broadcast_in_dim3A_207 = vector.broadcast %scan3A : f32 to vector<16xf32>
      %select_n3A_208 = arith.select %eq3A_206, %broadcast_in_dim3A_207, %get3A_52 : vector<16xi1>, vector<16xf32>
      %eq3A_209 = arith.constant 8 : i32
      %eq3A_210 = vector.broadcast %eq3A_209 : i32 to vector<16xi32>
      %eq3A_211 = arith.cmpi eq, %select_n3A_168, %eq3A_210 : vector<16xi32>
      %broadcast_in_dim3A_212 = vector.broadcast %scan3A : f32 to vector<16xf32>
      %select_n3A_213 = arith.select %eq3A_211, %broadcast_in_dim3A_212, %get3A_57 : vector<16xi1>, vector<16xf32>
      %eq3A_214 = arith.constant 9 : i32
      %eq3A_215 = vector.broadcast %eq3A_214 : i32 to vector<16xi32>
      %eq3A_216 = arith.cmpi eq, %select_n3A_168, %eq3A_215 : vector<16xi32>
      %broadcast_in_dim3A_217 = vector.broadcast %scan3A : f32 to vector<16xf32>
      %select_n3A_218 = arith.select %eq3A_216, %broadcast_in_dim3A_217, %get3A_62 : vector<16xi1>, vector<16xf32>
      %eq3A_219 = arith.constant 10 : i32
      %eq3A_220 = vector.broadcast %eq3A_219 : i32 to vector<16xi32>
      %eq3A_221 = arith.cmpi eq, %select_n3A_168, %eq3A_220 : vector<16xi32>
      %broadcast_in_dim3A_222 = vector.broadcast %scan3A : f32 to vector<16xf32>
      %select_n3A_223 = arith.select %eq3A_221, %broadcast_in_dim3A_222, %get3A_67 : vector<16xi1>, vector<16xf32>
      %eq3A_224 = arith.constant 11 : i32
      %eq3A_225 = vector.broadcast %eq3A_224 : i32 to vector<16xi32>
      %eq3A_226 = arith.cmpi eq, %select_n3A_168, %eq3A_225 : vector<16xi32>
      %broadcast_in_dim3A_227 = vector.broadcast %scan3A : f32 to vector<16xf32>
      %select_n3A_228 = arith.select %eq3A_226, %broadcast_in_dim3A_227, %get3A_72 : vector<16xi1>, vector<16xf32>
      %eq3A_229 = arith.constant 12 : i32
      %eq3A_230 = vector.broadcast %eq3A_229 : i32 to vector<16xi32>
      %eq3A_231 = arith.cmpi eq, %select_n3A_168, %eq3A_230 : vector<16xi32>
      %broadcast_in_dim3A_232 = vector.broadcast %scan3A : f32 to vector<16xf32>
      %select_n3A_233 = arith.select %eq3A_231, %broadcast_in_dim3A_232, %get3A_77 : vector<16xi1>, vector<16xf32>
      %eq3A_234 = arith.constant 13 : i32
      %eq3A_235 = vector.broadcast %eq3A_234 : i32 to vector<16xi32>
      %eq3A_236 = arith.cmpi eq, %select_n3A_168, %eq3A_235 : vector<16xi32>
      %broadcast_in_dim3A_237 = vector.broadcast %scan3A : f32 to vector<16xf32>
      %select_n3A_238 = arith.select %eq3A_236, %broadcast_in_dim3A_237, %get3A_82 : vector<16xi1>, vector<16xf32>
      %eq3A_239 = arith.constant 14 : i32
      %eq3A_240 = vector.broadcast %eq3A_239 : i32 to vector<16xi32>
      %eq3A_241 = arith.cmpi eq, %select_n3A_168, %eq3A_240 : vector<16xi32>
      %broadcast_in_dim3A_242 = vector.broadcast %scan3A : f32 to vector<16xf32>
      %select_n3A_243 = arith.select %eq3A_241, %broadcast_in_dim3A_242, %get3A_87 : vector<16xi1>, vector<16xf32>
      %eq3A_244 = arith.constant 15 : i32
      %eq3A_245 = vector.broadcast %eq3A_244 : i32 to vector<16xi32>
      %eq3A_246 = arith.cmpi eq, %select_n3A_168, %eq3A_245 : vector<16xi32>
      %broadcast_in_dim3A_247 = vector.broadcast %scan3A : f32 to vector<16xf32>
      %select_n3A_248 = arith.select %eq3A_246, %broadcast_in_dim3A_247, %get3A_92 : vector<16xi1>, vector<16xf32>
      %max3A_249 = arith.maximumf %select_n3A_173, %select_n3A_178 : vector<16xf32>
      %max3A_250 = arith.maximumf %max3A_249, %select_n3A_183 : vector<16xf32>
      %max3A_251 = arith.maximumf %max3A_250, %select_n3A_188 : vector<16xf32>
      %max3A_252 = arith.maximumf %max3A_251, %select_n3A_193 : vector<16xf32>
      %max3A_253 = arith.maximumf %max3A_252, %select_n3A_198 : vector<16xf32>
      %max3A_254 = arith.maximumf %max3A_253, %select_n3A_203 : vector<16xf32>
      %max3A_255 = arith.maximumf %max3A_254, %select_n3A_208 : vector<16xf32>
      %max3A_256 = arith.maximumf %max3A_255, %select_n3A_213 : vector<16xf32>
      %max3A_257 = arith.maximumf %max3A_256, %select_n3A_218 : vector<16xf32>
      %max3A_258 = arith.maximumf %max3A_257, %select_n3A_223 : vector<16xf32>
      %max3A_259 = arith.maximumf %max3A_258, %select_n3A_228 : vector<16xf32>
      %max3A_260 = arith.maximumf %max3A_259, %select_n3A_233 : vector<16xf32>
      %max3A_261 = arith.maximumf %max3A_260, %select_n3A_238 : vector<16xf32>
      %max3A_262 = arith.maximumf %max3A_261, %select_n3A_243 : vector<16xf32>
      %max3A_263 = arith.maximumf %max3A_262, %select_n3A_248 : vector<16xf32>
      %broadcast_in_dim3A_264 = arith.constant 0 : i32
      %broadcast_in_dim3A_265 = vector.broadcast %broadcast_in_dim3A_264 : i32 to vector<16xi32>
      %eq3A_266 = arith.cmpf oeq, %select_n3A_248, %max3A_263 : vector<16xf32>
      %jit3A_267 = arith.constant 15 : i32
      %broadcast_in_dim3A_268 = vector.broadcast %jit3A_267 : i32 to vector<16xi32>
      %select_n3A_269 = arith.select %eq3A_266, %broadcast_in_dim3A_268, %broadcast_in_dim3A_265 : vector<16xi1>, vector<16xi32>
      %eq3A_270 = arith.cmpf oeq, %select_n3A_243, %max3A_263 : vector<16xf32>
      %jit3A_271 = arith.constant 14 : i32
      %broadcast_in_dim3A_272 = vector.broadcast %jit3A_271 : i32 to vector<16xi32>
      %select_n3A_273 = arith.select %eq3A_270, %broadcast_in_dim3A_272, %select_n3A_269 : vector<16xi1>, vector<16xi32>
      %eq3A_274 = arith.cmpf oeq, %select_n3A_238, %max3A_263 : vector<16xf32>
      %jit3A_275 = arith.constant 13 : i32
      %broadcast_in_dim3A_276 = vector.broadcast %jit3A_275 : i32 to vector<16xi32>
      %select_n3A_277 = arith.select %eq3A_274, %broadcast_in_dim3A_276, %select_n3A_273 : vector<16xi1>, vector<16xi32>
      %eq3A_278 = arith.cmpf oeq, %select_n3A_233, %max3A_263 : vector<16xf32>
      %jit3A_279 = arith.constant 12 : i32
      %broadcast_in_dim3A_280 = vector.broadcast %jit3A_279 : i32 to vector<16xi32>
      %select_n3A_281 = arith.select %eq3A_278, %broadcast_in_dim3A_280, %select_n3A_277 : vector<16xi1>, vector<16xi32>
      %eq3A_282 = arith.cmpf oeq, %select_n3A_228, %max3A_263 : vector<16xf32>
      %jit3A_283 = arith.constant 11 : i32
      %broadcast_in_dim3A_284 = vector.broadcast %jit3A_283 : i32 to vector<16xi32>
      %select_n3A_285 = arith.select %eq3A_282, %broadcast_in_dim3A_284, %select_n3A_281 : vector<16xi1>, vector<16xi32>
      %eq3A_286 = arith.cmpf oeq, %select_n3A_223, %max3A_263 : vector<16xf32>
      %jit3A_287 = arith.constant 10 : i32
      %broadcast_in_dim3A_288 = vector.broadcast %jit3A_287 : i32 to vector<16xi32>
      %select_n3A_289 = arith.select %eq3A_286, %broadcast_in_dim3A_288, %select_n3A_285 : vector<16xi1>, vector<16xi32>
      %eq3A_290 = arith.cmpf oeq, %select_n3A_218, %max3A_263 : vector<16xf32>
      %jit3A_291 = arith.constant 9 : i32
      %broadcast_in_dim3A_292 = vector.broadcast %jit3A_291 : i32 to vector<16xi32>
      %select_n3A_293 = arith.select %eq3A_290, %broadcast_in_dim3A_292, %select_n3A_289 : vector<16xi1>, vector<16xi32>
      %eq3A_294 = arith.cmpf oeq, %select_n3A_213, %max3A_263 : vector<16xf32>
      %jit3A_295 = arith.constant 8 : i32
      %broadcast_in_dim3A_296 = vector.broadcast %jit3A_295 : i32 to vector<16xi32>
      %select_n3A_297 = arith.select %eq3A_294, %broadcast_in_dim3A_296, %select_n3A_293 : vector<16xi1>, vector<16xi32>
      %eq3A_298 = arith.cmpf oeq, %select_n3A_208, %max3A_263 : vector<16xf32>
      %jit3A_299 = arith.constant 7 : i32
      %broadcast_in_dim3A_300 = vector.broadcast %jit3A_299 : i32 to vector<16xi32>
      %select_n3A_301 = arith.select %eq3A_298, %broadcast_in_dim3A_300, %select_n3A_297 : vector<16xi1>, vector<16xi32>
      %eq3A_302 = arith.cmpf oeq, %select_n3A_203, %max3A_263 : vector<16xf32>
      %jit3A_303 = arith.constant 6 : i32
      %broadcast_in_dim3A_304 = vector.broadcast %jit3A_303 : i32 to vector<16xi32>
      %select_n3A_305 = arith.select %eq3A_302, %broadcast_in_dim3A_304, %select_n3A_301 : vector<16xi1>, vector<16xi32>
      %eq3A_306 = arith.cmpf oeq, %select_n3A_198, %max3A_263 : vector<16xf32>
      %jit3A_307 = arith.constant 5 : i32
      %broadcast_in_dim3A_308 = vector.broadcast %jit3A_307 : i32 to vector<16xi32>
      %select_n3A_309 = arith.select %eq3A_306, %broadcast_in_dim3A_308, %select_n3A_305 : vector<16xi1>, vector<16xi32>
      %eq3A_310 = arith.cmpf oeq, %select_n3A_193, %max3A_263 : vector<16xf32>
      %jit3A_311 = arith.constant 4 : i32
      %broadcast_in_dim3A_312 = vector.broadcast %jit3A_311 : i32 to vector<16xi32>
      %select_n3A_313 = arith.select %eq3A_310, %broadcast_in_dim3A_312, %select_n3A_309 : vector<16xi1>, vector<16xi32>
      %eq3A_314 = arith.cmpf oeq, %select_n3A_188, %max3A_263 : vector<16xf32>
      %jit3A_315 = arith.constant 3 : i32
      %broadcast_in_dim3A_316 = vector.broadcast %jit3A_315 : i32 to vector<16xi32>
      %select_n3A_317 = arith.select %eq3A_314, %broadcast_in_dim3A_316, %select_n3A_313 : vector<16xi1>, vector<16xi32>
      %eq3A_318 = arith.cmpf oeq, %select_n3A_183, %max3A_263 : vector<16xf32>
      %jit3A_319 = arith.constant 2 : i32
      %broadcast_in_dim3A_320 = vector.broadcast %jit3A_319 : i32 to vector<16xi32>
      %select_n3A_321 = arith.select %eq3A_318, %broadcast_in_dim3A_320, %select_n3A_317 : vector<16xi1>, vector<16xi32>
      %eq3A_322 = arith.cmpf oeq, %select_n3A_178, %max3A_263 : vector<16xf32>
      %jit3A_323 = arith.constant 1 : i32
      %broadcast_in_dim3A_324 = vector.broadcast %jit3A_323 : i32 to vector<16xi32>
      %select_n3A_325 = arith.select %eq3A_322, %broadcast_in_dim3A_324, %select_n3A_321 : vector<16xi1>, vector<16xi32>
      %eq3A_326 = arith.cmpf oeq, %select_n3A_173, %max3A_263 : vector<16xf32>
      %jit3A_327 = arith.constant 0 : i32
      %broadcast_in_dim3A_328 = vector.broadcast %jit3A_327 : i32 to vector<16xi32>
      %select_n3A_329 = arith.select %eq3A_326, %broadcast_in_dim3A_328, %select_n3A_325 : vector<16xi1>, vector<16xi32>
      %sub3A = arith.subf %max3A_263, %max3A_106 : vector<16xf32>
      %exp3A = math.exp %sub3A : vector<16xf32>
      %add3A_330 = arith.constant 1.000000e+00 : f32
      %add3A_331 = vector.broadcast %add3A_330 : f32 to vector<16xf32>
      %add3A_332 = arith.addf %add3A_331, %exp3A : vector<16xf32>
      %div3A = arith.constant 1.000000e+00 : f32
      %div3A_333 = vector.broadcast %div3A : f32 to vector<16xf32>
      %div3A_334 = arith.divf %div3A_333, %add3A_332 : vector<16xf32>
      %div3A_335 = arith.divf %exp3A, %add3A_332 : vector<16xf32>
      %swap3A = arith.constant 0 : i32
      %swap3A_336 = arith.index_cast %swap3A : i32 to index
      %swap3A_337 = arith.index_cast %mul3A_13 : i32 to index
      %swap3A_338 = tpu.vector_load %arg8[%swap3A_336, %swap3A_337] {strides = array<i32>} : memref<2x512xf32, #tpu.memory_space<vmem>>, vector<1x16xf32>,
      %swap3A_339 = vector.shape_cast %swap3A_338 : vector<1x16xf32> to vector<16xf32>
      %swap3A_340 = vector.shape_cast %div3A_334 : vector<16xf32> to vector<1x16xf32>
      tpu.vector_store %arg8[%swap3A_336, %swap3A_337], %swap3A_340 {strides = array<i32>} : memref<2x512xf32, #tpu.memory_space<vmem>>, vector<1x16xf32>,
      %swap3A_341 = arith.constant 1 : i32
      %swap3A_342 = arith.index_cast %swap3A_341 : i32 to index
      %swap3A_343 = arith.index_cast %mul3A_13 : i32 to index
      %swap3A_344 = tpu.vector_load %arg8[%swap3A_342, %swap3A_343] {strides = array<i32>} : memref<2x512xf32, #tpu.memory_space<vmem>>, vector<1x16xf32>,
      %swap3A_345 = vector.shape_cast %swap3A_344 : vector<1x16xf32> to vector<16xf32>
      %swap3A_346 = vector.shape_cast %div3A_335 : vector<16xf32> to vector<1x16xf32>
      tpu.vector_store %arg8[%swap3A_342, %swap3A_343], %swap3A_346 {strides = array<i32>} : memref<2x512xf32, #tpu.memory_space<vmem>>, vector<1x16xf32>,
      %swap3A_347 = arith.constant 0 : i32
      %swap3A_348 = arith.index_cast %swap3A_347 : i32 to index
      %swap3A_349 = arith.index_cast %mul3A_13 : i32 to index
      %swap3A_350 = tpu.vector_load %arg9[%swap3A_348, %swap3A_349] {strides = array<i32>} : memref<2x512xi32, #tpu.memory_space<vmem>>, vector<1x16xi32>,
      %swap3A_351 = vector.shape_cast %swap3A_350 : vector<1x16xi32> to vector<16xi32>
      %swap3A_352 = vector.shape_cast %select_n3A_168 : vector<16xi32> to vector<1x16xi32>
      tpu.vector_store %arg9[%swap3A_348, %swap3A_349], %swap3A_352 {strides = array<i32>} : memref<2x512xi32, #tpu.memory_space<vmem>>, vector<1x16xi32>,
      %swap3A_353 = arith.constant 1 : i32
      %swap3A_354 = arith.index_cast %swap3A_353 : i32 to index
      %swap3A_355 = arith.index_cast %mul3A_13 : i32 to index
      %swap3A_356 = tpu.vector_load %arg9[%swap3A_354, %swap3A_355] {strides = array<i32>} : memref<2x512xi32, #tpu.memory_space<vmem>>, vector<1x16xi32>,
      %swap3A_357 = vector.shape_cast %swap3A_356 : vector<1x16xi32> to vector<16xi32>
      %swap3A_358 = vector.shape_cast %select_n3A_329 : vector<16xi32> to vector<1x16xi32>
      tpu.vector_store %arg9[%swap3A_354, %swap3A_355], %swap3A_358 {strides = array<i32>} : memref<2x512xi32, #tpu.memory_space<vmem>>, vector<1x16xi32>,
    }
    %scan3A_7 = arith.constant 32 : i32
    %run_scoped3A = arith.constant 0 : i32
    "tpu.region"() ({
      %run_scoped3A_11 = tpu.sem_alloc : memref<!tpu.dma_semaphore, #tpu.memory_space<semaphore_mem>>
      %dma_start3A = arith.constant 0 : i32
      %dma_start3A_12 = tpu.memref_slice %arg8[%run_scoped3A, %dma_start3A] : memref<2x512xf32, #tpu.memory_space<vmem>> -> memref<1x512xf32, #tpu.memory_space<vmem>>
      %dma_start3A_13 = tpu.memref_squeeze %dma_start3A_12 : memref<1x512xf32, #tpu.memory_space<vmem>> -> memref<512xf32, #tpu.memory_space<vmem>>
      %dma_start3A_14 = tpu.memref_slice %arg3[%mul3A_2] : memref<16384xf32, #tpu.memory_space<hbm>> -> memref<512xf32, #tpu.memory_space<hbm>>
      %dma_start3A_15 = tpu.memref_slice %arg3[%mul3A_2] : memref<16384xf32, #tpu.memory_space<hbm>> -> memref<512xf32, #tpu.memory_space<hbm>>
      %dma_start3A_16 = arith.constant 0 : i32
      %dma_start3A_17 = tpu.memref_slice %arg8[%run_scoped3A, %dma_start3A_16] : memref<2x512xf32, #tpu.memory_space<vmem>> -> memref<1x512xf32, #tpu.memory_space<vmem>>
      %dma_start3A_18 = tpu.memref_squeeze %dma_start3A_17 : memref<1x512xf32, #tpu.memory_space<vmem>> -> memref<512xf32, #tpu.memory_space<vmem>>
      tpu.enqueue_dma source(%dma_start3A_18 : memref<512xf32, #tpu.memory_space<vmem>>) target(%dma_start3A_15 : memref<512xf32, #tpu.memory_space<hbm>>) target_semaphore(%run_scoped3A_11 : memref<!tpu.dma_semaphore, #tpu.memory_space<semaphore_mem>>)
      %dma_wait3A = arith.constant 0 : i32
      %dma_wait3A_19 = tpu.memref_slice %arg8[%run_scoped3A, %dma_wait3A] : memref<2x512xf32, #tpu.memory_space<vmem>> -> memref<1x512xf32, #tpu.memory_space<vmem>>
      %dma_wait3A_20 = tpu.memref_squeeze %dma_wait3A_19 : memref<1x512xf32, #tpu.memory_space<vmem>> -> memref<512xf32, #tpu.memory_space<vmem>>
      %dma_wait3A_21 = tpu.memref_slice %arg3[%mul3A_2] : memref<16384xf32, #tpu.memory_space<hbm>> -> memref<512xf32, #tpu.memory_space<hbm>>
      %dma_wait3A_22 = tpu.memref_slice %arg3[%mul3A_2] : memref<16384xf32, #tpu.memory_space<hbm>> -> memref<512xf32, #tpu.memory_space<hbm>>
      %dma_wait3A_23 = arith.constant 0 : i32
      %dma_wait3A_24 = tpu.memref_slice %arg8[%run_scoped3A, %dma_wait3A_23] : memref<2x512xf32, #tpu.memory_space<vmem>> -> memref<1x512xf32, #tpu.memory_space<vmem>>
      %dma_wait3A_25 = tpu.memref_squeeze %dma_wait3A_24 : memref<1x512xf32, #tpu.memory_space<vmem>> -> memref<512xf32, #tpu.memory_space<vmem>>
      tpu.wait_dma2 semaphore(%run_scoped3A_11 : memref<!tpu.dma_semaphore, #tpu.memory_space<semaphore_mem>>) src(%dma_wait3A_25 : memref<512xf32, #tpu.memory_space<vmem>>) dst(%dma_wait3A_22 : memref<512xf32, #tpu.memory_space<hbm>>)
      tpu.yield
    }) : () -> ()
    %run_scoped3A_8 = arith.constant 1 : i32
    "tpu.region"() ({
      %run_scoped3A_11 = tpu.sem_alloc : memref<!tpu.dma_semaphore, #tpu.memory_space<semaphore_mem>>
      %dma_start3A = arith.constant 0 : i32
      %dma_start3A_12 = tpu.memref_slice %arg8[%run_scoped3A_8, %dma_start3A] : memref<2x512xf32, #tpu.memory_space<vmem>> -> memref<1x512xf32, #tpu.memory_space<vmem>>
      %dma_start3A_13 = tpu.memref_squeeze %dma_start3A_12 : memref<1x512xf32, #tpu.memory_space<vmem>> -> memref<512xf32, #tpu.memory_space<vmem>>
      %dma_start3A_14 = tpu.memref_slice %arg4[%mul3A_2] : memref<16384xf32, #tpu.memory_space<hbm>> -> memref<512xf32, #tpu.memory_space<hbm>>
      %dma_start3A_15 = tpu.memref_slice %arg4[%mul3A_2] : memref<16384xf32, #tpu.memory_space<hbm>> -> memref<512xf32, #tpu.memory_space<hbm>>
      %dma_start3A_16 = arith.constant 0 : i32
      %dma_start3A_17 = tpu.memref_slice %arg8[%run_scoped3A_8, %dma_start3A_16] : memref<2x512xf32, #tpu.memory_space<vmem>> -> memref<1x512xf32, #tpu.memory_space<vmem>>
      %dma_start3A_18 = tpu.memref_squeeze %dma_start3A_17 : memref<1x512xf32, #tpu.memory_space<vmem>> -> memref<512xf32, #tpu.memory_space<vmem>>
      tpu.enqueue_dma source(%dma_start3A_18 : memref<512xf32, #tpu.memory_space<vmem>>) target(%dma_start3A_15 : memref<512xf32, #tpu.memory_space<hbm>>) target_semaphore(%run_scoped3A_11 : memref<!tpu.dma_semaphore, #tpu.memory_space<semaphore_mem>>)
      %dma_wait3A = arith.constant 0 : i32
      %dma_wait3A_19 = tpu.memref_slice %arg8[%run_scoped3A_8, %dma_wait3A] : memref<2x512xf32, #tpu.memory_space<vmem>> -> memref<1x512xf32, #tpu.memory_space<vmem>>
      %dma_wait3A_20 = tpu.memref_squeeze %dma_wait3A_19 : memref<1x512xf32, #tpu.memory_space<vmem>> -> memref<512xf32, #tpu.memory_space<vmem>>
      %dma_wait3A_21 = tpu.memref_slice %arg4[%mul3A_2] : memref<16384xf32, #tpu.memory_space<hbm>> -> memref<512xf32, #tpu.memory_space<hbm>>
      %dma_wait3A_22 = tpu.memref_slice %arg4[%mul3A_2] : memref<16384xf32, #tpu.memory_space<hbm>> -> memref<512xf32, #tpu.memory_space<hbm>>
      %dma_wait3A_23 = arith.constant 0 : i32
      %dma_wait3A_24 = tpu.memref_slice %arg8[%run_scoped3A_8, %dma_wait3A_23] : memref<2x512xf32, #tpu.memory_space<vmem>> -> memref<1x512xf32, #tpu.memory_space<vmem>>
      %dma_wait3A_25 = tpu.memref_squeeze %dma_wait3A_24 : memref<1x512xf32, #tpu.memory_space<vmem>> -> memref<512xf32, #tpu.memory_space<vmem>>
      tpu.wait_dma2 semaphore(%run_scoped3A_11 : memref<!tpu.dma_semaphore, #tpu.memory_space<semaphore_mem>>) src(%dma_wait3A_25 : memref<512xf32, #tpu.memory_space<vmem>>) dst(%dma_wait3A_22 : memref<512xf32, #tpu.memory_space<hbm>>)
      tpu.yield
    }) : () -> ()
    %run_scoped3A_9 = arith.constant 0 : i32
    "tpu.region"() ({
      %run_scoped3A_11 = tpu.sem_alloc : memref<!tpu.dma_semaphore, #tpu.memory_space<semaphore_mem>>
      %dma_start3A = arith.constant 0 : i32
      %dma_start3A_12 = tpu.memref_slice %arg9[%run_scoped3A_9, %dma_start3A] : memref<2x512xi32, #tpu.memory_space<vmem>> -> memref<1x512xi32, #tpu.memory_space<vmem>>
      %dma_start3A_13 = tpu.memref_squeeze %dma_start3A_12 : memref<1x512xi32, #tpu.memory_space<vmem>> -> memref<512xi32, #tpu.memory_space<vmem>>
      %dma_start3A_14 = tpu.memref_slice %arg5[%mul3A_2] : memref<16384xi32, #tpu.memory_space<hbm>> -> memref<512xi32, #tpu.memory_space<hbm>>
      %dma_start3A_15 = tpu.memref_slice %arg5[%mul3A_2] : memref<16384xi32, #tpu.memory_space<hbm>> -> memref<512xi32, #tpu.memory_space<hbm>>
      %dma_start3A_16 = arith.constant 0 : i32
      %dma_start3A_17 = tpu.memref_slice %arg9[%run_scoped3A_9, %dma_start3A_16] : memref<2x512xi32, #tpu.memory_space<vmem>> -> memref<1x512xi32, #tpu.memory_space<vmem>>
      %dma_start3A_18 = tpu.memref_squeeze %dma_start3A_17 : memref<1x512xi32, #tpu.memory_space<vmem>> -> memref<512xi32, #tpu.memory_space<vmem>>
      tpu.enqueue_dma source(%dma_start3A_18 : memref<512xi32, #tpu.memory_space<vmem>>) target(%dma_start3A_15 : memref<512xi32, #tpu.memory_space<hbm>>) target_semaphore(%run_scoped3A_11 : memref<!tpu.dma_semaphore, #tpu.memory_space<semaphore_mem>>)
      %dma_wait3A = arith.constant 0 : i32
      %dma_wait3A_19 = tpu.memref_slice %arg9[%run_scoped3A_9, %dma_wait3A] : memref<2x512xi32, #tpu.memory_space<vmem>> -> memref<1x512xi32, #tpu.memory_space<vmem>>
      %dma_wait3A_20 = tpu.memref_squeeze %dma_wait3A_19 : memref<1x512xi32, #tpu.memory_space<vmem>> -> memref<512xi32, #tpu.memory_space<vmem>>
      %dma_wait3A_21 = tpu.memref_slice %arg5[%mul3A_2] : memref<16384xi32, #tpu.memory_space<hbm>> -> memref<512xi32, #tpu.memory_space<hbm>>
      %dma_wait3A_22 = tpu.memref_slice %arg5[%mul3A_2] : memref<16384xi32, #tpu.memory_space<hbm>> -> memref<512xi32, #tpu.memory_space<hbm>>
      %dma_wait3A_23 = arith.constant 0 : i32
      %dma_wait3A_24 = tpu.memref_slice %arg9[%run_scoped3A_9, %dma_wait3A_23] : memref<2x512xi32, #tpu.memory_space<vmem>> -> memref<1x512xi32, #tpu.memory_space<vmem>>
      %dma_wait3A_25 = tpu.memref_squeeze %dma_wait3A_24 : memref<1x512xi32, #tpu.memory_space<vmem>> -> memref<512xi32, #tpu.memory_space<vmem>>
      tpu.wait_dma2 semaphore(%run_scoped3A_11 : memref<!tpu.dma_semaphore, #tpu.memory_space<semaphore_mem>>) src(%dma_wait3A_25 : memref<512xi32, #tpu.memory_space<vmem>>) dst(%dma_wait3A_22 : memref<512xi32, #tpu.memory_space<hbm>>)
      tpu.yield
    }) : () -> ()
    %run_scoped3A_10 = arith.constant 1 : i32
    "tpu.region"() ({
      %run_scoped3A_11 = tpu.sem_alloc : memref<!tpu.dma_semaphore, #tpu.memory_space<semaphore_mem>>
      %dma_start3A = arith.constant 0 : i32
      %dma_start3A_12 = tpu.memref_slice %arg9[%run_scoped3A_10, %dma_start3A] : memref<2x512xi32, #tpu.memory_space<vmem>> -> memref<1x512xi32, #tpu.memory_space<vmem>>
      %dma_start3A_13 = tpu.memref_squeeze %dma_start3A_12 : memref<1x512xi32, #tpu.memory_space<vmem>> -> memref<512xi32, #tpu.memory_space<vmem>>
      %dma_start3A_14 = tpu.memref_slice %arg6[%mul3A_2] : memref<16384xi32, #tpu.memory_space<hbm>> -> memref<512xi32, #tpu.memory_space<hbm>>
      %dma_start3A_15 = tpu.memref_slice %arg6[%mul3A_2] : memref<16384xi32, #tpu.memory_space<hbm>> -> memref<512xi32, #tpu.memory_space<hbm>>
      %dma_start3A_16 = arith.constant 0 : i32
      %dma_start3A_17 = tpu.memref_slice %arg9[%run_scoped3A_10, %dma_start3A_16] : memref<2x512xi32, #tpu.memory_space<vmem>> -> memref<1x512xi32, #tpu.memory_space<vmem>>
      %dma_start3A_18 = tpu.memref_squeeze %dma_start3A_17 : memref<1x512xi32, #tpu.memory_space<vmem>> -> memref<512xi32, #tpu.memory_space<vmem>>
      tpu.enqueue_dma source(%dma_start3A_18 : memref<512xi32, #tpu.memory_space<vmem>>) target(%dma_start3A_15 : memref<512xi32, #tpu.memory_space<hbm>>) target_semaphore(%run_scoped3A_11 : memref<!tpu.dma_semaphore, #tpu.memory_space<semaphore_mem>>)
      %dma_wait3A = arith.constant 0 : i32
      %dma_wait3A_19 = tpu.memref_slice %arg9[%run_scoped3A_10, %dma_wait3A] : memref<2x512xi32, #tpu.memory_space<vmem>> -> memref<1x512xi32, #tpu.memory_space<vmem>>
      %dma_wait3A_20 = tpu.memref_squeeze %dma_wait3A_19 : memref<1x512xi32, #tpu.memory_space<vmem>> -> memref<512xi32, #tpu.memory_space<vmem>>
      %dma_wait3A_21 = tpu.memref_slice %arg6[%mul3A_2] : memref<16384xi32, #tpu.memory_space<hbm>> -> memref<512xi32, #tpu.memory_space<hbm>>
      %dma_wait3A_22 = tpu.memref_slice %arg6[%mul3A_2] : memref<16384xi32, #tpu.memory_space<hbm>> -> memref<512xi32, #tpu.memory_space<hbm>>
      %dma_wait3A_23 = arith.constant 0 : i32
      %dma_wait3A_24 = tpu.memref_slice %arg9[%run_scoped3A_10, %dma_wait3A_23] : memref<2x512xi32, #tpu.memory_space<vmem>> -> memref<1x512xi32, #tpu.memory_space<vmem>>
      %dma_wait3A_25 = tpu.memref_squeeze %dma_wait3A_24 : memref<1x512xi32, #tpu.memory_space<vmem>> -> memref<512xi32, #tpu.memory_space<vmem>>
      tpu.wait_dma2 semaphore(%run_scoped3A_11 : memref<!tpu.dma_semaphore, #tpu.memory_space<semaphore_mem>>) src(%dma_wait3A_25 : memref<512xi32, #tpu.memory_space<vmem>>) dst(%dma_wait3A_22 : memref<512xi32, #tpu.memory_space<hbm>>)
      tpu.yield
    }) : () -> ()
    return
  }
}

module attributes {stable_mosaic.version = 14 : i64} {
  func.func @_logits_body(%arg0: i32, %arg1: memref<512x2048xf32, #tpu.memory_space<vmem>>, %arg2: memref<16x2048xf32, #tpu.memory_space<vmem>>, %arg3: memref<16x512xf32, #tpu.memory_space<vmem>>) attributes {dimension_semantics = [#tpu.dimension_semantics<arbitrary>], iteration_bounds = array<i64: 32>, scalar_prefetch = 0 : i64, scratch_operands = 0 : i64, tpu.core_type = #tpu.core_type<tc>, window_params = [{transform_indices = @transform_0, window_bounds = array<i64: 512, 2048>}, {pipeline_mode = #tpu.pipeline_mode<synchronous>, transform_indices = @transform_1, window_bounds = array<i64: 16, 2048>}, {transform_indices = @transform_2, window_bounds = array<i64: 16, 512>}]} {
    %get3A = arith.constant 0 : index
    %get3A_0 = arith.constant 0 : index
    %get3A_1 = vector.load %arg2[%get3A, %get3A_0] : memref<16x2048xf32, #tpu.memory_space<vmem>>, vector<16x2048xf32>
    %get3A_2 = arith.constant 0 : index
    %get3A_3 = arith.constant 0 : index
    %get3A_4 = vector.load %arg1[%get3A_2, %get3A_3] : memref<512x2048xf32, #tpu.memory_space<vmem>>, vector<512x2048xf32>
    %dot_general3A = arith.constant dense<0.000000e+00> : vector<16x512xf32>
    %dot_general3A_5 = tpu.matmul %get3A_1, %get3A_4, %dot_general3A {dimension_numbers = #tpu.dot_dimension_numbers<[1], [1], [0], [0], [0, 0, 1, 0], [], []>, transpose_lhs_hint = false} : vector<16x2048xf32>, vector<512x2048xf32>, vector<16x512xf32> -> vector<16x512xf32>
    %swap3A = arith.constant 0 : index
    %swap3A_6 = arith.constant 0 : index
    %swap3A_7 = vector.load %arg3[%swap3A, %swap3A_6] : memref<16x512xf32, #tpu.memory_space<vmem>>, vector<16x512xf32>
    tpu.vector_store %arg3[%swap3A, %swap3A_6], %dot_general3A_5 {strides = array<i32>} : memref<16x512xf32, #tpu.memory_space<vmem>>, vector<16x512xf32>,
    return
  }
  func.func @transform_0(%arg0: i32) -> (i32, i32) {
    %c0_i32 = arith.constant 0 : i32
    %c0_i32_0 = arith.constant 0 : i32
    return %arg0, %c0_i32 : i32, i32
  }
  func.func @transform_1(%arg0: i32) -> (i32, i32) {
    %c0_i32 = arith.constant 0 : i32
    %c0_i32_0 = arith.constant 0 : i32
    %c0_i32_1 = arith.constant 0 : i32
    return %c0_i32, %c0_i32_0 : i32, i32
  }
  func.func @transform_2(%arg0: i32) -> (i32, i32) {
    %c0_i32 = arith.constant 0 : i32
    %c0_i32_0 = arith.constant 0 : i32
    return %c0_i32, %arg0 : i32, i32
  }
}

</mosaic_0001>

<sc_bundles>
// kernel: kernel.4.cloned.1.call-start
scs
__scs_entry_jumppad:
0x0: {  	(pc) =	sbr.rel $0x88, $3  }
0x1: {  	(tag) =	ssettag $0x0;
	lr =	simm.s32 $0x1  }
0x2: {  	[smem:$0x3F9F] =	sst lr;
	_ =	strace $0xD0000000  }
0x3: {  	_ = 	snop  }
0x4: {  	_ = 	snop  }
0x5: {  	_ = 	snop  }
0x6: {  	_ = 	snop  }
0x7: {  	_ = 	snop  }
__scs_overlays_trampoline_lowered:
0x8: {  	[smem:$0x3FAE] =	sst s0  }
0x9: {  	[smem:$0x3FAF] =	sst s1  }
0xa: {  	[smem:$0x3FB0] =	sst s2  }
0xb: {  	[smem:$0x3FB1] =	sst s3  }
0xc: {  	[smem:$0x3FB2] =	sst s4  }
0xd: {  	[smem:$0x3FB3] =	sst s5  }
0xe: {  	[smem:$0x3FB4] =	sst s6  }
0xf: {  	[smem:$0x3FB5] =	sst s7  }
0x10: {  	[smem:$0x3FB6] =	sst s8  }
0x11: {  	[smem:$0x3FB7] =	sst s9;
	s0 =	simm.s32 @!p0 $0x0  }
0x12: {  	s1 =	sld [smem:$0x3F9D];
	s0 =	simm.s32 @p0 $0x1  }
0x13: {  	[smem:$0x3FB8] =	sst s0;
	s0 =	simm.s32 @!p1 $0x0  }
0x14: {  	s2 =	sld [smem:$0x3F9C];
	s0 =	simm.s32 @p1 $0x1  }
0x15: {  	[smem:$0x3FB9] =	sst s0;
	s0 =	simm.s32 @!p2 $0x0  }
0x16: {  	s3 =	sld [smem:$0x3FDB];
	s0 =	simm.s32 @p2 $0x1  }
0x17: {  	s4 =	simm.s32 $0x1BF5;
	[smem:$0x3FBB] =	sst s0  }
0x18: {  	s0 =	sld [smem:$0x3F9E];
	_ =	swait.ge [sflag:s4], $0x0  }
0x19: {  	s7 =	sld [smem:$0x3F9F]  }
0x1a: {  	s8 =	sadd.s32 $0xFFFFE003, lr  }
0x1b: {  	s9 =	sadd.s32 $0xFFFFFEF7, lr;
	s5 =	simm.s32 $0xFFFFFFFF;
	p2 =	slt.u32 s8, $0xFFFFF086  }
0x1c: {  	p1 =	slt.u32 s9, $0xF7A;
	s5 =	simm.s32 @!p2 $0x0  }
0x1d: {  	s5 =	simm.s32 @p1 $0x1;
	p0 =	seq.s32 s7, s2  }
0x1e: {  	s7 =	smul.u32 @!p0 $0xF7A, s2;
	p2 =	seq.s32 @!p0 s5, $0x0  }
0x1f: {  	s9 =	smul.u32 $0xF7A, s1;
	s8 =	simm.s32 @!p0 $0x1BF5;
	p2 =	por !p2, p0  }
0x20: {  	[sflag:s8] =	ssyncset.s32 @!p0 $0xFFFFF086;
	s6 =	sadd.s32 @!p0 s3, s7;
	s7 =	simm.s32 @!p0 $0x108  }
0x21: {  	s3 =	sadd.s32 s3, s9;
	s6 =	sadd.s32 @!p0 $0x88, s6;
	s7 =	simm.s32 @p2 $0x1082  }
0x22: {  	[simem:s7], [sflag:s8] =	dma.local @!p0 [hbm:s6], $0xF7A  }
0x23: {  	s9 =	sor.u32 $0xD0000000, s2;
	s6 =	simm.s32 $0x108;
	_ =	swait.ge @!p0 [sflag:s8], $0x0  }
0x24: {  	s3 =	sadd.s32 $0x88, s3;
	s6 =	simm.s32 @!p1 $0x1082;
	[sflag:s4] =	ssyncset.s32 $0xFFFFF086  }
0x25: {  	[simem:s6], [sflag:s4] =	dma.local [hbm:s3], $0xF7A  }
0x26: {  	[smem:$0x3F9F] =	sst s1;
	(tag) =	ssettag s2;
	_ =	strace s9  }
0x27: {  	s1 =	sld [smem:$0x3FAF]  }
0x28: {  	s2 =	sld [smem:$0x3FB0]  }
0x29: {  	s4 =	sld [smem:$0x3FB2]  }
0x2a: {  	p0 =	seq.s32 s5, $0x0;
	s5 =	sld [smem:$0x3FB3]  }
0x2b: {  	s6 =	sld [smem:$0x3FB4]  }
0x2c: {  	s7 =	sld [smem:$0x3FB5]  }
0x2d: {  	s3 =	simm.s32 $0x108;
	s8 =	sld [smem:$0x3FB6]  }
0x2e: {  	s3 =	simm.s32 @!p0 $0x1082;
	s9 =	sld [smem:$0x3FB7]  }
0x2f: {  	lr =	sadd.s32 s0, s3;
	s0 =	sld [smem:$0x3FAE]  }
0x30: {  	s3 =	sld [smem:$0x3FB1]  }
0x31: {  	[smem:$0x3FBA] =	sst s10  }
0x32: {  	s10 =	sld [smem:$0x3FB8];
	_ =	sdelay $0x3  }
0x33: {  	p0 =	seq.s32 s10, $0x1;
	s10 =	sld [smem:$0x3FBA];
	_ =	sdelay $0x3  }
0x34: {  	[smem:$0x3FBA] =	sst s10  }
0x35: {  	s10 =	sld [smem:$0x3FB9];
	_ =	sdelay $0x3  }
0x36: {  	p1 =	seq.s32 s10, $0x1;
	s10 =	sld [smem:$0x3FBA];
	_ =	sdelay $0x3  }
0x37: {  	[smem:$0x3FBA] =	sst s10  }
0x38: {  	s10 =	sld [smem:$0x3FBB]  }
0x39: {  	_ = 	snop;
	(pc) =	sbr.ind lr, $3  }
0x3a: {  	_ = 	snop  }
0x3b: {  	_ = 	snop  }
0x3c: {  	p2 =	seq.s32 s10, $0x1;
	s10 =	sld [smem:$0x3FBA]  }
0x3d: {  	_ =	shalt  }
0x3e: {  	_ =	shalt  }
0x3f: {  	_ =	shalt  }
0x40: {  	_ =	shalt  }
0x41: {  	_ =	shalt  }
0x42: {  	_ =	shalt  }
0x43: {  	_ =	shalt  }
0x44: {  	_ =	shalt  }
0x45: {  	_ =	shalt  }
0x46: {  	_ =	shalt  }
0x47: {  	_ =	shalt  }
0x48: {  	_ =	shalt  }
0x49: {  	_ =	shalt  }
0x4a: {  	_ =	shalt  }
0x4b: {  	_ =	shalt  }
0x4c: {  	_ =	shalt  }
0x4d: {  	_ =	shalt  }
0x4e: {  	_ =	shalt  }
0x4f: {  	_ =	shalt  }
0x50: {  	_ =	shalt  }
0x51: {  	_ =	shalt  }
0x52: {  	_ =	shalt  }
0x53: {  	_ =	shalt  }
0x54: {  	_ =	shalt  }
0x55: {  	_ =	shalt  }
0x56: {  	_ =	shalt  }
0x57: {  	_ =	shalt  }
0x58: {  	_ =	shalt  }
0x59: {  	_ =	shalt  }
0x5a: {  	_ =	shalt  }
0x5b: {  	_ =	shalt  }
0x5c: {  	_ =	shalt  }
0x5d: {  	_ =	shalt  }
0x5e: {  	_ =	shalt  }
0x5f: {  	_ =	shalt  }
0x60: {  	_ =	shalt  }
0x61: {  	_ =	shalt  }
0x62: {  	_ =	shalt  }
0x63: {  	_ =	shalt  }
0x64: {  	_ =	shalt  }
0x65: {  	_ =	shalt  }
0x66: {  	_ =	shalt  }
0x67: {  	_ =	shalt  }
0x68: {  	_ =	shalt  }
0x69: {  	_ =	shalt  }
0x6a: {  	_ =	shalt  }
0x6b: {  	_ =	shalt  }
0x6c: {  	_ =	shalt  }
0x6d: {  	_ =	shalt  }
0x6e: {  	_ =	shalt  }
0x6f: {  	_ =	shalt  }
0x70: {  	_ =	shalt  }
0x71: {  	_ =	shalt  }
0x72: {  	_ =	shalt  }
0x73: {  	_ =	shalt  }
0x74: {  	_ =	shalt  }
0x75: {  	_ =	shalt  }
0x76: {  	_ =	shalt  }
0x77: {  	_ =	shalt  }
0x78: {  	_ =	shalt  }
0x79: {  	_ =	shalt  }
0x7a: {  	_ =	shalt  }
0x7b: {  	_ =	shalt  }
0x7c: {  	_ =	shalt  }
0x7d: {  	_ =	shalt  }
0x7e: {  	_ =	shalt  }
0x7f: {  	_ =	shalt  }
0x80: {  	_ =	shalt  }
0x81: {  	_ =	shalt  }
0x82: {  	_ =	shalt  }
0x83: {  	_ =	shalt  }
0x84: {  	_ =	shalt  }
0x85: {  	_ =	shalt  }
0x86: {  	_ =	shalt  }
0x87: {  	_ =	shalt  }
.Lfunc_end0:
.L_simem_size_0:
called_computation_lowered:
.L_overlay_start_0:
0x88: {  	s2 =	sld [smem:$0x3FD9]  }
0x89: {  	s3 =	sld [smem:$0x3FFE];
	_ =	sdelay $0x1  }
0x8a: {  	s1 =	srdreg.scid  }
0x8b: {  	s0 =	sand.u32 $0x1, s1  }
0x8c: {  	s14 =	sshll.u32 s0, $0xA;
	s2 =	sadd.s32 s3, s2  }
0x8d: {  	s2 =	sadd.s32 s2, s14  }
0x8e: {  	[smem:$0x3FC6] =	sst s2  }
0x8f: {  	_ = 	snop  }
0x90: {  	s2 =	sld [smem:$0x3FD0];
	_ =	sdelay $0x2  }
0x91: {  	s15 =	simm.s32 $0xA;
	s4 =	simm.s32 $0x10  }
0x92: {  	[smem:s4], [sflag:s15] =	dma.local [hbm:s2], $0x1  }
0x93: {  	_ =	swait.eq [sflag:s15], $0x1  }
0x94: {  	[sflag:s15] =	ssyncset.done $0x0  }
0x95: {  	[sflag:s15] =	ssyncadd.s32 $0xFFFFFFFF  }
0x96: {  	s16 =	sld [smem:$0x11];
	(tm) =	ssettm $0x1  }
0x97: {  	s17 =	sld [smem:$0x3FFB];
	_ =	sdelay $0x3  }
0x98: {  	_ =	strace s17  }
0x99: {  	s3 =	sld [smem:$0x3FFC];
	_ =	sdelay $0x3  }
0x9a: {  	_ =	strace s3  }
0x9b: {  	s3 =	sld [smem:$0x3FFD];
	_ =	sdelay $0x3  }
0x9c: {  	_ =	strace s3  }
0x9d: {  	_ =	strace $0x8FFFFFFF  }
0x9e: {  	s18 =	sld [smem:$0x3FDB];
	_ =	sdelay $0x1  }
0x9f: {  	s19 =	simm.s32 $_scs_section_size  }
0xa0: {  	s5 =	simm.s32 $_size__tile_overlayer_lowered;
	s6 =	simm.s32 $_tile_overlayer_lowered  }
0xa1: {  	s22 =	simm.s32 $0x1BFF;
	s21 =	sshll.u32 s6, $0x1;
	s3 =	sadd.s32 s19, s18  }
0xa2: {  	s7 =	simm.s32 $0x0;
	s20 =	sshll.u32 s5, $0x1;
	s5 =	sadd.s32 s21, s3  }
0xa3: {  	[timem:s7], [sflag:s22] =	dma.local [hbm:s5], s20  }
0xa4: {  	_ =	swait.ge [sflag:s22], s20  }
0xa5: {  	s4 =	ssub.s32 $0x0, s20;
	[sflag:s22] =	ssyncset.done $0x0  }
0xa6: {  	[sflag:s22] =	ssyncadd.s32 s4;
	_ =	sdelay $0x1  }
0xa7: {  	s23 =	simm.s32 $0x1B8B  }
0xa8: {  	_ =	swait.ge [sflag:s23], $0x1  }
0xa9: {  	[sflag:s23] =	ssyncset.done $0x0  }
0xaa: {  	s25 =	simm.s32 $0x1B8E;
	s24 =	sld [smem:$0x3FFE];
	[sflag:s23] =	ssyncadd.s32 $0xFFFFFFFF  }
0xab: {  	s26 =	simm.s32 $execute0_lowered;
	[smem:$0x3FD2] =	sst s25  }
0xac: {  	s5 =	sshll.u32 s26, $0x1;
	_ =	strace $0x80000046;
	[dreg:$0x1] =	wrdreg $0xFFFFFFFF  }
0xad: {  	s28 =	simm.s32 $_size_execute0_lowered;
	s3 =	sadd.s32 s3, s5;
	[dreg:$0x0] =	wrdreg $0x0  }
0xae: {  	s5 =	sshll.u32 s28, $0x1;
	[dreg:$0x2] =	wrdreg s3  }
0xaf: {  	[dreg:$0x3] =	wrdreg s5  }
0xb0: {  	[dreg:$0x4] =	wrdreg $0xC0  }
0xb1: {  	_ =	task [dreg:s7], $0x5FFFF  }
0xb2: {  	[dreg:$0x1] =	wrdreg $0xFFFFFFFF  }
0xb3: {  	[dreg:$0x0] =	wrdreg $0x60  }
0xb4: {  	[dreg:$0x2] =	wrdreg s24  }
0xb5: {  	[dreg:$0x3] =	wrdreg s16  }
0xb6: {  	[dreg:$0x4] =	wrdreg $0x9  }
0xb7: {  	_ =	task.clear_ibuf [dreg:s7], $0x5FFFF;
	_ =	strace $0x90000046  }
0xb8: {  	s29 =	simm.s32 $0x9;
	_ =	strace $0x80000048  }
0xb9: {  	_ =	swait.ge [sflag:s29], $0x1  }
0xba: {  	[sflag:s29] =	ssyncadd.s32 $0xFFFFFFFF  }
0xbb: {  	_ =	strace $0x90000048  }
0xbc: {  	_ =	sfence  }
0xbd: {  	s30 =	sld [smem:$0x0];
	_ =	sdelay $0x2  }
0xbe: {  	s31 =	sshll.u32 s1, $0xD;
	s1 =	sshrl.u32 s1, $0x2  }
0xbf: {  	s3 =	sand.u32 $0x4000, s31;
	s1 =	sadd.s32 s1, s30  }
0xc0: {  	s0 =	sor.u32 s3, s0;
	s1 =	sshll.u32 s1, $0x11  }
0xc1: {  	s0 =	sor.u32 s1, s0  }
0xc2: {  	s0 =	sadd.s32 $0x8F2B, s0  }
0xc3: {  	[sflag:s0] =	ssyncadd.remote.s32 $0x1  }
0xc4: {  	_ =	sfence.sel $0xFFFF  }
0xc5: {  	[dreg:$0x0] =	wrdreg $0xFFFFFFFF;
	(pc) =	sbr.abs _section_cstart, $3  }
0xc6: {  	[dreg:$0x1] =	wrdreg $0xFFFFFFFF  }
0xc7: {  	_ =	task.clear_ibuf [dreg:s7], $0x2FFFF;
	_ =	strace $0x9FFFFFFF  }
0xc8: {  	(tm) =	ssettm $0x7FFFFFFF  }
0xc9: {  	_ =	shalt  }
tec
execute0_lowered:
.L_overlay_start_1:
0x0: {  	(tag) =	ssettag $0x1  }
0x1: {  	s0 =	rddreg [dreg:$0x0]  }
0x2: {  	s1 =	rddreg [dreg:$0x1]  }
0x3: {  	s2 =	srdreg.scid;
	s4 =	stileid.u32  }
0x4: {  	s11 =	simm.s32 $0x1;
	s19 =	simm.s32 $0x2080;
	s20 =	simm.s32 $0x2180  }
0x5: {  	s21 =	simm.s32 $0x2280;
	s22 =	simm.s32 $0x2380;
	s23 =	simm.s32 $0x2400  }
0x6: {  	s24 =	simm.s32 $0x2500;
	s25 =	simm.s32 $0x2600;
	s26 =	simm.s32 $0x2700  }
0x7: {  	s28 =	simm.s32 $0x2480;
	s29 =	simm.s32 $0x2580;
	s30 =	simm.s32 $0x2680  }
0x8: {  	s31 =	simm.s32 $0x2780;
	s3 =	sand.u32 $0x1, s2;
	s2 =	simm.s32 $0x0  }
0x9: {  	s4 =	sshll.u32 s4, $0xA;
	s5 =	sshll.u32 s3, $0x9;
	[smem:$0x7FF] =	sst s2  }
0xa: {  	s3 =	ssub.s32 $0x2, s3;
	s4 =	sor.u32 s5, s4;
	_ =	strace $0x80000047  }
0xb: {  	s6 =	sshrl.u32 s3, $0x1;
	s5 =	sshrl.u32 s4, $0x3;
	s4 =	sadd.s32 s4, s0  }
0xc: {  	s8 =	ssub.s32 s3, s6;
	s0 =	sadd.s32 s5, s0;
	s3 =	sadd.s32 $0xC00, s4  }
0xd: {  	s4 =	sadd.s32 s1, s5;
	s8 =	smax.u32 s8, $0x1;
	s5 =	sadd.s32 $0x8C00, s0  }
0xe: {  	s6 =	sadd.s32 $0x9400, s0;
	s7 =	sadd.s32 $0x9C00, s0;
	s13 =	sadd.s32 $0x10, s4  }
0xf: {  	v0 =	vimm.s32 $0x0;
	s15 =	sadd.s32 $0x20, s4;
	s17 =	sadd.s32 $0x30, s4;
	s0 =	simm.s32 $0x0  }
.LBB2_1:
0x10: {  	s1 =	simm.s32 $0x1000;
	s9 =	simm.s32 $0x20000  }
0x11: {  	[tilespmem:s2], [sflag:$0x1] =	stream.strided.gather [hbm4b:s3+s1], $0x2000, s9, s1, $0x38;
	[tilespmem:$0x2800] =	vst v63  }
0x12: {  	s14 =	simm.s32 $0x0;
	_ =	swait.ge [sflag:s11], $0x2000  }
0x13: {  	s16 =	sand.u32 $0x70, s2;
	s9 =	sand.u32 $0x3FFFFC00, s14;
	[sflag:s11] =	ssyncset.done $0x0  }
0x14: {  	s9 =	sor.u32 s16, s9;
	[sflag:s11] =	ssyncadd.s32 $0xFFFFE000  }
0x15: {  	v1 =	vld [tilespmem:s9+$0x0]  }
0x16: {  	v2 =	vld [tilespmem:s9+$0x80]  }
0x17: {  	v3 =	vld [tilespmem:s9+$0x100]  }
0x18: {  	v4 =	vld [tilespmem:s9+$0x180]  }
0x19: {  	v5 =	vld [tilespmem:s9+$0x200]  }
0x1a: {  	v6 =	vld [tilespmem:s9+$0x280]  }
0x1b: {  	v7 =	vld [tilespmem:s9+$0x300];
	v8 =	vmax.f32 v1, v2  }
0x1c: {  	v9 =	vld [tilespmem:s9+$0x380];
	v8 =	vmax.f32 v8, v3  }
0x1d: {  	v10 =	vld [tilespmem:s9+$0x1000];
	v8 =	vmax.f32 v8, v4  }
0x1e: {  	v11 =	vld [tilespmem:s9+$0x1080];
	v8 =	vmax.f32 v8, v5  }
0x1f: {  	v12 =	vld [tilespmem:s9+$0x1100];
	v8 =	vmax.f32 v8, v6  }
0x20: {  	v13 =	vld [tilespmem:s9+$0x1180];
	v8 =	vmax.f32 v8, v7  }
0x21: {  	v14 =	vld [tilespmem:s9+$0x1200];
	v8 =	vmax.f32 v8, v9  }
0x22: {  	v15 =	vld [tilespmem:s9+$0x1280];
	v8 =	vmax.f32 v8, v10  }
0x23: {  	v16 =	vld [tilespmem:s9+$0x1300];
	v8 =	vmax.f32 v8, v11  }
0x24: {  	v17 =	vld [tilespmem:s9+$0x1380];
	v8 =	vmax.f32 v8, v12  }
0x25: {  	v8 =	vmax.f32 v8, v13  }
0x26: {  	v8 =	vmax.f32 v8, v14  }
0x27: {  	v8 =	vmax.f32 v8, v15  }
0x28: {  	v8 =	vmax.f32 v8, v16  }
0x29: {  	v8 =	vmax.f32 v8, v17  }
0x2a: {  	vm0 =	veq.f32 v17, v8  }
0x2b: {  	vm1 =	veq.f32 v16, v8;
	v18 =	vsel vm0, $0xF, v0  }
0x2c: {  	vm8 =	veq.f32 v15, v8;
	v18 =	vsel vm1, $0xE, v18  }
0x2d: {  	vm9 =	veq.f32 v14, v8;
	v18 =	vsel vm8, $0xD, v18  }
0x2e: {  	vm10 =	veq.f32 v13, v8;
	v18 =	vsel vm9, $0xC, v18  }
0x2f: {  	vm11 =	veq.f32 v12, v8;
	v18 =	vsel vm10, $0xB, v18  }
0x30: {  	vm12 =	veq.f32 v11, v8;
	v18 =	vsel vm11, $0xA, v18  }
0x31: {  	vm13 =	veq.f32 v10, v8;
	v18 =	vsel vm12, $0x9, v18  }
0x32: {  	vm14 =	veq.f32 v9, v8;
	v18 =	vsel vm13, $0x8, v18  }
0x33: {  	vm15 =	veq.f32 v7, v8;
	v18 =	vsel vm14, $0x7, v18  }
0x34: {  	vm4 =	veq.f32 v6, v8;
	v18 =	vsel vm15, $0x6, v18  }
0x35: {  	vm5 =	veq.f32 v5, v8;
	v18 =	vsel vm4, $0x5, v18  }
0x36: {  	vm6 =	veq.f32 v4, v8;
	v18 =	vsel vm5, $0x4, v18  }
0x37: {  	vm7 =	veq.f32 v3, v8;
	v18 =	vsel vm6, $0x3, v18  }
0x38: {  	vm8 =	veq.f32 v2, v8;
	v18 =	vsel vm7, $0x2, v18  }
0x39: {  	vm9 =	veq.f32 v1, v8;
	v18 =	vsel vm8, $0x1, v18  }
0x3a: {  	v18 =	vsel vm9, $0x0, v18  }
0x3b: {  	vm10 =	veq.s32 v18, $0x0;
	vm1 =	veq.s32 v18, $0x1  }
0x3c: {  	vm11 =	veq.s32 v18, $0x2;
	v19 =	vsel vm10, $0xFF800000, v1;
	v2 =	vsel vm1, $0xFF800000, v2  }
0x3d: {  	vm12 =	veq.s32 v18, $0x3;
	v3 =	vsel vm11, $0xFF800000, v3;
	v1 =	vmax.f32 v19, v2  }
0x3e: {  	vm13 =	veq.s32 v18, $0x4;
	v4 =	vsel vm12, $0xFF800000, v4;
	v1 =	vmax.f32 v1, v3  }
0x3f: {  	vm14 =	veq.s32 v18, $0x5;
	v5 =	vsel vm13, $0xFF800000, v5;
	v1 =	vmax.f32 v1, v4  }
0x40: {  	vm15 =	veq.s32 v18, $0x6;
	v6 =	vsel vm14, $0xFF800000, v6;
	v1 =	vmax.f32 v1, v5  }
0x41: {  	vm4 =	veq.s32 v18, $0x7;
	v7 =	vsel vm15, $0xFF800000, v7;
	v1 =	vmax.f32 v1, v6  }
0x42: {  	vm5 =	veq.s32 v18, $0x8;
	v9 =	vsel vm4, $0xFF800000, v9;
	v1 =	vmax.f32 v1, v7  }
0x43: {  	vm6 =	veq.s32 v18, $0x9;
	v10 =	vsel vm5, $0xFF800000, v10;
	v1 =	vmax.f32 v1, v9  }
0x44: {  	vm7 =	veq.s32 v18, $0xA;
	v11 =	vsel vm6, $0xFF800000, v11;
	v1 =	vmax.f32 v1, v10  }
0x45: {  	vm8 =	veq.s32 v18, $0xB;
	v12 =	vsel vm7, $0xFF800000, v12;
	v1 =	vmax.f32 v1, v11  }
0x46: {  	vm9 =	veq.s32 v18, $0xC;
	v13 =	vsel vm8, $0xFF800000, v13;
	v1 =	vmax.f32 v1, v12  }
0x47: {  	vm10 =	veq.s32 v18, $0xD;
	v14 =	vsel vm9, $0xFF800000, v14;
	v1 =	vmax.f32 v1, v13  }
0x48: {  	vm11 =	veq.s32 v18, $0xE;
	v15 =	vsel vm10, $0xFF800000, v15;
	v1 =	vmax.f32 v1, v14  }
0x49: {  	vm12 =	veq.s32 v18, $0xF;
	v16 =	vsel vm11, $0xFF800000, v16;
	v1 =	vmax.f32 v1, v15  }
0x4a: {  	v17 =	vsel vm12, $0xFF800000, v17;
	v1 =	vmax.f32 v1, v16  }
0x4b: {  	v20 =	vmax.f32 v1, v17  }
0x4c: {  	v1 =	vsub.f32 v20, v8;
	_ =	sdelay $0x1  }
0x4d: {  	v1 =	vmul.f32 $1.442695020e+00, v1;
	_ =	sdelay $0x1  }
0x4e: {  	(erf) = vpow2.f32 v1;
	_ =	sdelay $0x1  }
0x4f: {  	vm0 =	veq.f32 v17, v20  }
0x50: {  	vm13 =	veq.f32 v16, v20;
	v1 =	vsel vm0, $0xF, v0  }
0x51: {  	vm14 =	veq.f32 v15, v20;
	v1 =	vsel vm13, $0xE, v1  }
0x52: {  	vm15 =	veq.f32 v14, v20;
	v1 =	vsel vm14, $0xD, v1  }
0x53: {  	vm4 =	veq.f32 v13, v20;
	v1 =	vsel vm15, $0xC, v1  }
0x54: {  	vm5 =	veq.f32 v12, v20;
	v58 =	vsel vm4, $0xB, v1  }
0x55: {  	vm6 =	veq.f32 v11, v20;
	v8 =	vsel vm5, $0xA, v58  }
0x56: {  	vm7 =	veq.f32 v10, v20;
	v8 =	vsel vm6, $0x9, v8;
	v1 =	vpop (erf)  }
0x57: {  	vm8 =	veq.f32 v9, v20;
	v8 =	vsel vm7, $0x8, v8;
	v59 =	vadd.f32 $1.000000000e+00, v1  }
0x58: {  	vm9 =	veq.f32 v7, v20;
	v60 =	vsel vm8, $0x7, v8  }
0x59: {  	vm10 =	veq.f32 v6, v20;
	v61 =	vsel vm9, $0x6, v60;
	(erf) = vrcp.f32 v59  }
0x5a: {  	vm11 =	veq.f32 v5, v20;
	v62 =	vsel vm10, $0x5, v61  }
0x5b: {  	vm12 =	veq.f32 v4, v20;
	v63 =	vsel vm11, $0x4, v62  }
0x5c: {  	vm13 =	veq.f32 v3, v20;
	v3 =	vsel vm12, $0x3, v63  }
0x5d: {  	vm14 =	veq.f32 v2, v20;
	v2 =	vsel vm13, $0x2, v3  }
0x5e: {  	s18 =	simm.s32 $0x0;
	vm15 =	veq.f32 v19, v20;
	v2 =	vsel vm14, $0x1, v2  }
0x5f: {  	s9 =	sand.u32 $0xFFFFFF00, s18;
	v2 =	vsel vm15, $0x0, v2  }
0x60: {  	s12 =	sor.u32 s16, s9  }
0x61: {  	[tilespmem:s12+$0x2400] =	vst v18  }
0x62: {  	s1 =	simm.s32 $0x1;
	s14 =	simm.s32 $0x2;
	s9 =	simm.s32 $0x0;
	[tilespmem:s12+$0x2480] =	vst v2;
	v2 =	vpop (erf)  }
.LBB2_2:
0x63: {  	s18 =	sshll.u32 s1, $0x7  }
0x64: {  	v1 =	vmul.f32 v2, v1;
	s9 =	sadd.s32 $0x10, s9;
	s16 =	smov.u32 s14;
	s10 =	sadd.s32 $0x1, s14  }
0x65: {  	p0 =	sne.s32 s14, $0x1F;
	s14 =	sand.u32 $0x70, s9;
	s18 =	sand.u32 $0x3FFFFC00, s18;
	[tilespmem:s12+$0x2000] =	vst v2  }
0x66: {  	s18 =	sor.u32 s14, s18;
	[tilespmem:s12+$0x2080] =	vst v1  }
0x67: {  	v1 =	vld [tilespmem:s18+$0x100]  }
0x68: {  	v2 =	vld [tilespmem:s18+$0x0]  }
0x69: {  	v3 =	vld [tilespmem:s18+$0x80];
	_ =	sdelay $0x1  }
0x6a: {  	v4 =	vld [tilespmem:s18+$0x180]  }
0x6b: {  	v5 =	vld [tilespmem:s18+$0x200]  }
0x6c: {  	v6 =	vld [tilespmem:s18+$0x280]  }
0x6d: {  	v7 =	vld [tilespmem:s18+$0x300];
	v8 =	vmax.f32 v2, v3  }
0x6e: {  	v9 =	vld [tilespmem:s18+$0x380];
	v8 =	vmax.f32 v8, v1  }
0x6f: {  	v10 =	vld [tilespmem:s18+$0x1000];
	v8 =	vmax.f32 v8, v4  }
0x70: {  	v11 =	vld [tilespmem:s18+$0x1080];
	v8 =	vmax.f32 v8, v5  }
0x71: {  	v12 =	vld [tilespmem:s18+$0x1100];
	v8 =	vmax.f32 v8, v6  }
0x72: {  	v13 =	vld [tilespmem:s18+$0x1180];
	v8 =	vmax.f32 v8, v7  }
0x73: {  	v14 =	vld [tilespmem:s18+$0x1200];
	v8 =	vmax.f32 v8, v9  }
0x74: {  	v15 =	vld [tilespmem:s18+$0x1280];
	v8 =	vmax.f32 v8, v10  }
0x75: {  	v16 =	vld [tilespmem:s18+$0x1300];
	v8 =	vmax.f32 v8, v11  }
0x76: {  	v17 =	vld [tilespmem:s18+$0x1380];
	v8 =	vmax.f32 v8, v12  }
0x77: {  	v8 =	vmax.f32 v8, v13  }
0x78: {  	v8 =	vmax.f32 v8, v14  }
0x79: {  	v8 =	vmax.f32 v8, v15  }
0x7a: {  	v8 =	vmax.f32 v8, v16  }
0x7b: {  	v8 =	vmax.f32 v8, v17  }
0x7c: {  	vm1 =	veq.f32 v17, v8;
	vm2 =	veq.f32 v16, v8;
	vm0 =	veq.f32 v7, v8  }
0x7d: {  	vm3 =	veq.f32 v6, v8;
	v18 =	vsel vm1, $0xF, v0;
	vm1 =	veq.f32 v15, v8  }
0x7e: {  	vm4 =	veq.f32 v5, v8;
	v18 =	vsel vm2, $0xE, v18;
	vm2 =	veq.f32 v14, v8  }
0x7f: {  	vm5 =	veq.f32 v4, v8;
	v18 =	vsel vm1, $0xD, v18;
	vm1 =	veq.f32 v13, v8  }
0x80: {  	vm6 =	veq.f32 v1, v8;
	v18 =	vsel vm2, $0xC, v18;
	vm2 =	veq.f32 v12, v8  }
0x81: {  	vm7 =	veq.f32 v3, v8;
	v18 =	vsel vm1, $0xB, v18;
	vm1 =	veq.f32 v11, v8  }
0x82: {  	vm8 =	veq.f32 v2, v8;
	v18 =	vsel vm2, $0xA, v18;
	vm2 =	veq.f32 v10, v8  }
0x83: {  	v18 =	vsel vm1, $0x9, v18;
	vm1 =	veq.f32 v9, v8  }
0x84: {  	v18 =	vsel vm2, $0x8, v18  }
0x85: {  	v18 =	vsel vm1, $0x7, v18  }
0x86: {  	v18 =	vsel vm0, $0x6, v18  }
0x87: {  	v18 =	vsel vm3, $0x5, v18  }
0x88: {  	v18 =	vsel vm4, $0x4, v18  }
0x89: {  	v18 =	vsel vm5, $0x3, v18  }
0x8a: {  	s12 =	sshll.u32 s1, $0x5;
	s1 =	smov.u32 s16;
	v18 =	vsel vm6, $0x2, v18  }
0x8b: {  	s12 =	sand.u32 $0xFFFFFF00, s12;
	v18 =	vsel vm7, $0x1, v18  }
0x8c: {  	s12 =	sor.u32 s14, s12;
	v18 =	vsel vm8, $0x0, v18  }
0x8d: {  	vm0 =	veq.s32 v18, $0x0;
	vm1 =	veq.s32 v18, $0x1;
	vm2 =	veq.s32 v18, $0x4;
	[tilespmem:s12+$0x2400] =	vst v18  }
0x8e: {  	v2 =	vsel vm0, $0xFF800000, v2;
	v3 =	vsel vm1, $0xFF800000, v3;
	vm0 =	veq.s32 v18, $0x2  }
0x8f: {  	v1 =	vsel vm0, $0xFF800000, v1;
	vm0 =	veq.s32 v18, $0x3;
	v19 =	vmax.f32 v2, v3  }
0x90: {  	v4 =	vsel vm0, $0xFF800000, v4;
	vm0 =	veq.s32 v18, $0x5;
	v19 =	vmax.f32 v19, v1  }
0x91: {  	v5 =	vsel vm2, $0xFF800000, v5;
	vm1 =	veq.s32 v18, $0x6;
	v19 =	vmax.f32 v19, v4  }
0x92: {  	v6 =	vsel vm0, $0xFF800000, v6;
	vm0 =	veq.s32 v18, $0x7;
	v19 =	vmax.f32 v19, v5  }
0x93: {  	v7 =	vsel vm1, $0xFF800000, v7;
	vm1 =	veq.s32 v18, $0x8;
	v19 =	vmax.f32 v19, v6  }
0x94: {  	v9 =	vsel vm0, $0xFF800000, v9;
	vm0 =	veq.s32 v18, $0x9;
	v19 =	vmax.f32 v19, v7  }
0x95: {  	v10 =	vsel vm1, $0xFF800000, v10;
	vm1 =	veq.s32 v18, $0xA;
	v19 =	vmax.f32 v19, v9  }
0x96: {  	v11 =	vsel vm0, $0xFF800000, v11;
	vm0 =	veq.s32 v18, $0xB;
	v19 =	vmax.f32 v19, v10  }
0x97: {  	v12 =	vsel vm1, $0xFF800000, v12;
	vm1 =	veq.s32 v18, $0xC;
	v19 =	vmax.f32 v19, v11  }
0x98: {  	v13 =	vsel vm0, $0xFF800000, v13;
	vm0 =	veq.s32 v18, $0xD;
	v19 =	vmax.f32 v19, v12  }
0x99: {  	v14 =	vsel vm1, $0xFF800000, v14;
	vm1 =	veq.s32 v18, $0xE;
	v19 =	vmax.f32 v19, v13  }
0x9a: {  	v15 =	vsel vm0, $0xFF800000, v15;
	vm0 =	veq.s32 v18, $0xF;
	v18 =	vmax.f32 v19, v14  }
0x9b: {  	v16 =	vsel vm1, $0xFF800000, v16;
	v18 =	vmax.f32 v18, v15  }
0x9c: {  	v17 =	vsel vm0, $0xFF800000, v17;
	v18 =	vmax.f32 v18, v16  }
0x9d: {  	v18 =	vmax.f32 v18, v17  }
0x9e: {  	vm0 =	veq.f32 v17, v18;
	vm1 =	veq.f32 v14, v18;
	v8 =	vsub.f32 v18, v8  }
0x9f: {  	vm2 =	veq.f32 v11, v18;
	v14 =	vsel vm0, $0xF, v0;
	vm0 =	veq.f32 v16, v18  }
0xa0: {  	v11 =	vsel vm0, $0xE, v14;
	vm0 =	veq.f32 v15, v18;
	v8 =	vmul.f32 $1.442695020e+00, v8  }
0xa1: {  	vm3 =	veq.f32 v6, v18;
	v11 =	vsel vm0, $0xD, v11;
	vm0 =	veq.f32 v12, v18  }
0xa2: {  	v6 =	vsel vm1, $0xC, v11;
	vm1 =	veq.f32 v13, v18;
	(erf) = vpow2.f32 v8  }
0xa3: {  	vm4 =	veq.f32 v9, v18;
	v6 =	vsel vm1, $0xB, v6;
	vm1 =	veq.f32 v10, v18  }
0xa4: {  	vm5 =	veq.f32 v5, v18;
	v6 =	vsel vm0, $0xA, v6;
	vm0 =	veq.f32 v7, v18  }
0xa5: {  	vm6 =	veq.f32 v1, v18;
	v5 =	vsel vm2, $0x9, v6;
	vm2 =	veq.f32 v4, v18  }
0xa6: {  	vm7 =	veq.f32 v2, v18;
	v1 =	vsel vm1, $0x8, v5;
	vm1 =	veq.f32 v3, v18  }
0xa7: {  	v1 =	vsel vm4, $0x7, v1  }
0xa8: {  	v1 =	vsel vm0, $0x6, v1  }
0xa9: {  	v4 =	vsel vm3, $0x5, v1  }
0xaa: {  	v3 =	vsel vm5, $0x4, v4  }
0xab: {  	v2 =	vsel vm2, $0x3, v3;
	v1 =	vpop (erf)  }
0xac: {  	v2 =	vsel vm6, $0x2, v2;
	v3 =	vadd.f32 $1.000000000e+00, v1  }
0xad: {  	v2 =	vsel vm1, $0x1, v2  }
0xae: {  	v2 =	vsel vm7, $0x0, v2;
	(erf) = vrcp.f32 v3  }
0xaf: {  	[tilespmem:s12+$0x2480] =	vst v2;
	_ =	sdelay $0x3  }
.Ltmp0:
0xb0: {  	(pc) =	sbr.rel @p0 .LBB2_2-.Ltmp0, $2  }
0xb1: {  	_ =	sdelay $0x2  }
0xb2: {  	s14 =	smov.u32 s10;
	v2 =	vpop (erf)  }
0xb3: {  	s10 =	sshll.u32 s1, $0x7;
	v1 =	vmul.f32 v2, v1;
	s9 =	sadd.s32 $0x10, s9  }
0xb4: {  	[tilespmem:s12+$0x2000] =	vst v2;
	s9 =	sand.u32 $0x70, s9;
	s10 =	sand.u32 $0x3FFFFC00, s10  }
0xb5: {  	[tilespmem:s12+$0x2080] =	vst v1;
	s10 =	sor.u32 s9, s10  }
0xb6: {  	v1 =	vld [tilespmem:s10+$0x0]  }
0xb7: {  	v2 =	vld [tilespmem:s10+$0x80]  }
0xb8: {  	v3 =	vld [tilespmem:s10+$0x100]  }
0xb9: {  	v4 =	vld [tilespmem:s10+$0x180]  }
0xba: {  	v5 =	vld [tilespmem:s10+$0x200]  }
0xbb: {  	v6 =	vld [tilespmem:s10+$0x280]  }
0xbc: {  	v7 =	vld [tilespmem:s10+$0x300];
	v8 =	vmax.f32 v1, v2  }
0xbd: {  	v9 =	vld [tilespmem:s10+$0x380];
	v8 =	vmax.f32 v8, v3  }
0xbe: {  	v10 =	vld [tilespmem:s10+$0x1000];
	v8 =	vmax.f32 v8, v4  }
0xbf: {  	v11 =	vld [tilespmem:s10+$0x1080];
	v8 =	vmax.f32 v8, v5  }
0xc0: {  	v12 =	vld [tilespmem:s10+$0x1100];
	v8 =	vmax.f32 v8, v6  }
0xc1: {  	v13 =	vld [tilespmem:s10+$0x1180];
	v8 =	vmax.f32 v8, v7  }
0xc2: {  	v14 =	vld [tilespmem:s10+$0x1200];
	v8 =	vmax.f32 v8, v9  }
0xc3: {  	v15 =	vld [tilespmem:s10+$0x1280];
	v8 =	vmax.f32 v8, v10  }
0xc4: {  	v16 =	vld [tilespmem:s10+$0x1300];
	v8 =	vmax.f32 v8, v11  }
0xc5: {  	v17 =	vld [tilespmem:s10+$0x1380];
	v8 =	vmax.f32 v8, v12  }
0xc6: {  	v8 =	vmax.f32 v8, v13  }
0xc7: {  	v8 =	vmax.f32 v8, v14  }
0xc8: {  	v8 =	vmax.f32 v8, v15  }
0xc9: {  	v8 =	vmax.f32 v8, v16  }
0xca: {  	v8 =	vmax.f32 v8, v17  }
0xcb: {  	vm0 =	veq.f32 v17, v8  }
0xcc: {  	vm1 =	veq.f32 v16, v8;
	v18 =	vsel vm0, $0xF, v0  }
0xcd: {  	vm8 =	veq.f32 v15, v8;
	v18 =	vsel vm1, $0xE, v18  }
0xce: {  	vm9 =	veq.f32 v14, v8;
	v18 =	vsel vm8, $0xD, v18  }
0xcf: {  	vm10 =	veq.f32 v13, v8;
	v18 =	vsel vm9, $0xC, v18  }
0xd0: {  	vm11 =	veq.f32 v12, v8;
	v18 =	vsel vm10, $0xB, v18  }
0xd1: {  	vm12 =	veq.f32 v11, v8;
	v18 =	vsel vm11, $0xA, v18  }
0xd2: {  	vm13 =	veq.f32 v10, v8;
	v18 =	vsel vm12, $0x9, v18  }
0xd3: {  	vm14 =	veq.f32 v9, v8;
	v18 =	vsel vm13, $0x8, v18  }
0xd4: {  	vm15 =	veq.f32 v7, v8;
	v18 =	vsel vm14, $0x7, v18  }
0xd5: {  	vm4 =	veq.f32 v6, v8;
	v18 =	vsel vm15, $0x6, v18  }
0xd6: {  	vm5 =	veq.f32 v5, v8;
	v18 =	vsel vm4, $0x5, v18  }
0xd7: {  	vm6 =	veq.f32 v4, v8;
	v18 =	vsel vm5, $0x4, v18  }
0xd8: {  	vm7 =	veq.f32 v3, v8;
	v18 =	vsel vm6, $0x3, v18  }
0xd9: {  	vm8 =	veq.f32 v2, v8;
	v18 =	vsel vm7, $0x2, v18  }
0xda: {  	vm9 =	veq.f32 v1, v8;
	v18 =	vsel vm8, $0x1, v18  }
0xdb: {  	v18 =	vsel vm9, $0x0, v18  }
0xdc: {  	vm10 =	veq.s32 v18, $0x0;
	vm1 =	veq.s32 v18, $0x1  }
0xdd: {  	vm11 =	veq.s32 v18, $0x2;
	v1 =	vsel vm10, $0xFF800000, v1;
	v2 =	vsel vm1, $0xFF800000, v2  }
0xde: {  	vm12 =	veq.s32 v18, $0x3;
	v3 =	vsel vm11, $0xFF800000, v3;
	v19 =	vmax.f32 v1, v2  }
0xdf: {  	vm13 =	veq.s32 v18, $0x4;
	v4 =	vsel vm12, $0xFF800000, v4;
	v19 =	vmax.f32 v19, v3  }
0xe0: {  	vm14 =	veq.s32 v18, $0x5;
	v5 =	vsel vm13, $0xFF800000, v5;
	v19 =	vmax.f32 v19, v4  }
0xe1: {  	vm15 =	veq.s32 v18, $0x6;
	v6 =	vsel vm14, $0xFF800000, v6;
	v19 =	vmax.f32 v19, v5  }
0xe2: {  	vm4 =	veq.s32 v18, $0x7;
	v7 =	vsel vm15, $0xFF800000, v7;
	v19 =	vmax.f32 v19, v6  }
0xe3: {  	vm5 =	veq.s32 v18, $0x8;
	v9 =	vsel vm4, $0xFF800000, v9;
	v19 =	vmax.f32 v19, v7  }
0xe4: {  	vm6 =	veq.s32 v18, $0x9;
	v10 =	vsel vm5, $0xFF800000, v10;
	v19 =	vmax.f32 v19, v9  }
0xe5: {  	vm7 =	veq.s32 v18, $0xA;
	v11 =	vsel vm6, $0xFF800000, v11;
	v19 =	vmax.f32 v19, v10  }
0xe6: {  	vm8 =	veq.s32 v18, $0xB;
	v12 =	vsel vm7, $0xFF800000, v12;
	v19 =	vmax.f32 v19, v11  }
0xe7: {  	vm9 =	veq.s32 v18, $0xC;
	v13 =	vsel vm8, $0xFF800000, v13;
	v19 =	vmax.f32 v19, v12  }
0xe8: {  	vm10 =	veq.s32 v18, $0xD;
	v14 =	vsel vm9, $0xFF800000, v14;
	v19 =	vmax.f32 v19, v13  }
0xe9: {  	vm11 =	veq.s32 v18, $0xE;
	v15 =	vsel vm10, $0xFF800000, v15;
	v19 =	vmax.f32 v19, v14  }
0xea: {  	vm12 =	veq.s32 v18, $0xF;
	v16 =	vsel vm11, $0xFF800000, v16;
	v19 =	vmax.f32 v19, v15  }
0xeb: {  	v17 =	vsel vm12, $0xFF800000, v17;
	v19 =	vmax.f32 v19, v16  }
0xec: {  	v19 =	vmax.f32 v19, v17  }
0xed: {  	v8 =	vsub.f32 v19, v8;
	_ =	sdelay $0x1  }
0xee: {  	v8 =	vmul.f32 $1.442695020e+00, v8;
	_ =	sdelay $0x1  }
0xef: {  	(erf) = vpow2.f32 v8;
	_ =	sdelay $0x3  }
0xf0: {  	vm0 =	veq.f32 v17, v19  }
0xf1: {  	vm13 =	veq.f32 v16, v19;
	v57 =	vsel vm0, $0xF, v0  }
0xf2: {  	vm14 =	veq.f32 v15, v19;
	v8 =	vsel vm13, $0xE, v57  }
0xf3: {  	vm15 =	veq.f32 v14, v19;
	v8 =	vsel vm14, $0xD, v8  }
0xf4: {  	vm4 =	veq.f32 v13, v19;
	v8 =	vsel vm15, $0xC, v8  }
0xf5: {  	vm5 =	veq.f32 v12, v19;
	v8 =	vsel vm4, $0xB, v8;
	v58 =	vpop (erf)  }
0xf6: {  	vm6 =	veq.f32 v11, v19;
	v8 =	vsel vm5, $0xA, v8;
	v59 =	vadd.f32 $1.000000000e+00, v58  }
0xf7: {  	vm7 =	veq.f32 v10, v19;
	v8 =	vsel vm6, $0x9, v8  }
0xf8: {  	vm8 =	veq.f32 v9, v19;
	v8 =	vsel vm7, $0x8, v8;
	(erf) = vrcp.f32 v59  }
0xf9: {  	vm9 =	veq.f32 v7, v19;
	v60 =	vsel vm8, $0x7, v8  }
0xfa: {  	vm10 =	veq.f32 v6, v19;
	v61 =	vsel vm9, $0x6, v60  }
0xfb: {  	vm11 =	veq.f32 v5, v19;
	v62 =	vsel vm10, $0x5, v61  }
0xfc: {  	vm12 =	veq.f32 v4, v19;
	v63 =	vsel vm11, $0x4, v62  }
0xfd: {  	vm13 =	veq.f32 v3, v19;
	v3 =	vsel vm12, $0x3, v63  }
0xfe: {  	s16 =	sshll.u32 s1, $0x5;
	vm14 =	veq.f32 v2, v19;
	v2 =	vsel vm13, $0x2, v3  }
0xff: {  	s1 =	sand.u32 $0xFFFFFF00, s16  }
0x100: {  	s1 =	sor.u32 s9, s1;
	vm15 =	veq.f32 v1, v19;
	v1 =	vsel vm14, $0x1, v2  }
0x101: {  	[tilespmem:s1+$0x2400] =	vst v18;
	v1 =	vsel vm15, $0x0, v1;
	v2 =	vpop (erf)  }
0x102: {  	[tilespmem:s1+$0x2480] =	vst v1;
	v1 =	vmul.f32 v2, v58  }
0x103: {  	[tilespmem:s1+$0x2000] =	vst v2  }
0x104: {  	s18 =	simm.s32 $0x2000;
	[tilespmem:s1+$0x2080] =	vst v1  }
0x105: {  	[hbm4b:s4+s2] =	stream.linear.scatter [tilespmem:s18], [sflag:$0x1], $0x80, $0x38;
	[tilespmem:$0x2800] =	vst v63  }
0x106: {  	s9 =	simm.s32 $0x2100  }
0x107: {  	[hbm4b:s13+s2] =	stream.linear.scatter [tilespmem:s9], [sflag:$0x1], $0x80, $0x38;
	[tilespmem:$0x2800] =	vst v63  }
0x108: {  	s10 =	simm.s32 $0x2200  }
0x109: {  	[hbm4b:s15+s2] =	stream.linear.scatter [tilespmem:s10], [sflag:$0x1], $0x80, $0x38;
	[tilespmem:$0x2800] =	vst v63  }
0x10a: {  	s12 =	simm.s32 $0x2300  }
0x10b: {  	[hbm4b:s17+s2] =	stream.linear.scatter [tilespmem:s12], [sflag:$0x1], $0x80, $0x38;
	[tilespmem:$0x2800] =	vst v63  }
0x10c: {  	_ =	swait.ge [sflag:s11], $0x200  }
0x10d: {  	[sflag:s11] =	ssyncset.done $0x0  }
0x10e: {  	[sflag:s11] =	ssyncadd.s32 $0xFFFFFE00  }
0x10f: {  	[hbm4b:s5+s2] =	stream.linear.scatter [tilespmem:s19], [sflag:$0x1], $0x80, $0x38;
	[tilespmem:$0x2800] =	vst v63  }
0x110: {  	s14 =	sadd.s32 $0x10, s5  }
0x111: {  	[hbm4b:s14+s2] =	stream.linear.scatter [tilespmem:s20], [sflag:$0x1], $0x80, $0x38;
	[tilespmem:$0x2800] =	vst v63  }
0x112: {  	s16 =	sadd.s32 $0x20, s5  }
0x113: {  	[hbm4b:s16+s2] =	stream.linear.scatter [tilespmem:s21], [sflag:$0x1], $0x80, $0x38;
	[tilespmem:$0x2800] =	vst v63  }
0x114: {  	s18 =	sadd.s32 $0x30, s5  }
0x115: {  	[hbm4b:s18+s2] =	stream.linear.scatter [tilespmem:s22], [sflag:$0x1], $0x80, $0x38;
	[tilespmem:$0x2800] =	vst v63  }
0x116: {  	_ =	swait.ge [sflag:s11], $0x200  }
0x117: {  	[sflag:s11] =	ssyncset.done $0x0  }
0x118: {  	[sflag:s11] =	ssyncadd.s32 $0xFFFFFE00  }
0x119: {  	[hbm4b:s6+s2] =	stream.linear.scatter [tilespmem:s23], [sflag:$0x1], $0x80, $0x38;
	[tilespmem:$0x2800] =	vst v63  }
0x11a: {  	s9 =	sadd.s32 $0x10, s6  }
0x11b: {  	[hbm4b:s9+s2] =	stream.linear.scatter [tilespmem:s24], [sflag:$0x1], $0x80, $0x38;
	[tilespmem:$0x2800] =	vst v63  }
0x11c: {  	s10 =	sadd.s32 $0x20, s6  }
0x11d: {  	[hbm4b:s10+s2] =	stream.linear.scatter [tilespmem:s25], [sflag:$0x1], $0x80, $0x38;
	[tilespmem:$0x2800] =	vst v63  }
0x11e: {  	s12 =	sadd.s32 $0x30, s6  }
0x11f: {  	[hbm4b:s12+s2] =	stream.linear.scatter [tilespmem:s26], [sflag:$0x1], $0x80, $0x38;
	[tilespmem:$0x2800] =	vst v63  }
0x120: {  	_ =	swait.ge [sflag:s11], $0x200  }
0x121: {  	[sflag:s11] =	ssyncset.done $0x0  }
0x122: {  	[sflag:s11] =	ssyncadd.s32 $0xFFFFFE00  }
0x123: {  	[hbm4b:s7+s2] =	stream.linear.scatter [tilespmem:s28], [sflag:$0x1], $0x80, $0x38;
	[tilespmem:$0x2800] =	vst v63  }
0x124: {  	s0 =	sadd.s32 $0x1, s0;
	s14 =	sadd.s32 $0x10, s7  }
0x125: {  	[hbm4b:s14+s2] =	stream.linear.scatter [tilespmem:s29], [sflag:$0x1], $0x80, $0x38;
	[tilespmem:$0x2800] =	vst v63  }
0x126: {  	p0 =	sne.s32 s0, s8;
	s16 =	sadd.s32 $0x20, s7  }
0x127: {  	[hbm4b:s16+s2] =	stream.linear.scatter [tilespmem:s30], [sflag:$0x1], $0x80, $0x38;
	[tilespmem:$0x2800] =	vst v63  }
.Ltmp1:
0x128: {  	s18 =	sadd.s32 $0x30, s7;
	(pc) =	sbr.rel @p0 .LBB2_1-.Ltmp1, $4  }
0x129: {  	[hbm4b:s18+s2] =	stream.linear.scatter [tilespmem:s31], [sflag:$0x1], $0x80, $0x38;
	[tilespmem:$0x2800] =	vst v63  }
0x12a: {  	_ =	swait.ge [sflag:s11], $0x200  }
0x12b: {  	[sflag:s11] =	ssyncset.done $0x0  }
0x12c: {  	[sflag:s11] =	ssyncadd.s32 $0xFFFFFE00  }
0x12d: {  	_ =	sfence.sel $0x180000  }
0x12e: {  	[bflag:$0x0] =	sbarrier.arrive $0xFFFF  }
0x12f: {  	_ =	strace $0x90000047  }
0x130: {  	s0 =	stileid.u32;
	[bflag:$0x2] =	sbarrier.arrive $0xFFFF  }
0x131: {  	p0 =	sne.s32 s0, $0x0;
	s0 =	rddreg [dreg:$0x2]  }
0x132: {  	s0 =	sadd.s32 @!p0 $0x100000, s0  }
0x133: {  	[sflag:s0] =	ssyncadd.tile.s32 @!p0 $0x1;
	_ =	shalt  }
.Lfunc_end2:
_tile_overlayer_lowered:
.L_overlay_start_2:
0x134: {  	(tag) =	ssettag $0x2  }
0x135: {  	s0 =	rddreg [dreg:$0x0];
	s2 =	stileid.u32  }
0x136: {  	s1 =	rddreg [dreg:$0x1];
	p0 =	sne.s32 s2, $0x0  }
0x137: {  	s3 =	rddreg [dreg:$0x2];
	[bflag:$0x3] =	sbarrier.arrive $0xFFFF;
	s2 =	simm.s32 @!p0 $0x1C01  }
0x138: {  	[timem:s3], [sflag:s2] =	dma.local @!p0 [hbm:s0], s1  }
0x139: {  	s0 =	simm.s32 @!p0 $0x1  }
0x13a: {  	_ =	swait.ge @!p0 [sflag:s0], s1  }
0x13b: {  	s1 =	ssub.s32 @!p0 $0x0, s1;
	[sflag:s0] =	ssyncset.done @!p0 $0x0  }
0x13c: {  	[sflag:s0] =	ssyncadd.s32 @!p0 s1  }
0x13d: {  	[bflag:$0x3] =	sbarrier.arrive $0xFFFF  }
0x13e: {  	_ =	shalt  }

</sc_bundles>
